<compile_context>
chip_gen: v7x
topology: tpu7x:2x2x1
jax: 0.10.2.dev20260603
libtpu: 0.0.44.dev20260713+nightly
codegen_flags: <defaults>
</compile_context>

<pallas_src>
import jax
import jax.numpy as jnp
from jax import lax
from jax.experimental import pallas as pl
from jax.experimental.pallas import tpu as pltpu
from jax.experimental.pallas import tpu_sc as plsc

NUM_CLASSES = 1000000
EMBED = 64
BATCH = 4096
SEQ = 200

NC = 2
NS = 16
NW = NC * NS
ROWS_PER_W = BATCH // NW

CHUNKS = ((0, 128), (128, 72))


NG = 4
NO = 2


def _body(x_hbm, tab_hbm, out_hbm, idx_all, rows4, out2, sg0, sg1, sg2, sg3,
          so0, so1):
    wid = lax.axis_index("s") * NC + lax.axis_index("c")
    row0 = wid * ROWS_PER_W
    sg = (sg0, sg1, sg2, sg3)
    so = (so0, so1)

    pltpu.sync_copy(x_hbm.at[pl.ds(row0 * SEQ, ROWS_PER_W * SEQ)], idx_all)

    def start_gather(r, p):
        base = r * SEQ
        for off, n in CHUNKS:
            pltpu.make_async_copy(
                tab_hbm.at[idx_all.at[pl.ds(base + off, n)]],
                rows4.at[p].at[pl.ds(off, n)],
                sg[p],
            ).start()

    def wait_gather(p):
        for off, n in CHUNKS:
            pltpu.make_async_copy(
                tab_hbm.at[pl.ds(0, n)],
                rows4.at[p].at[pl.ds(off, n)],
                sg[p],
            ).wait()

    eye = lax.iota(jnp.int32, 16)

    def transpose(rbuf, obuf):
        @plsc.parallel_loop(0, SEQ, step=1, unroll=4)
        def _(l):
            col = jnp.full((16,), l, jnp.int32)
            for eb in range(EMBED // 16):
                v = rbuf[l, pl.ds(eb * 16, 16)]
                plsc.store_scatter(obuf, [eye + (eb * 16), col], v)

    def start_store(r, q):
        pltpu.make_async_copy(out2.at[q], out_hbm.at[row0 + r], so[q]).start()

    def wait_store(r, q):
        pltpu.make_async_copy(out2.at[q], out_hbm.at[row0 + r], so[q]).wait()

    for r in range(NG - 1):
        start_gather(r, r)

    def step(k, carry):
        for j in range(NG):
            r = NG * k + j
            p = j
            q = j % NO

            @pl.when(r + (NG - 1) < ROWS_PER_W)
            def _():
                start_gather(r + (NG - 1), (j + NG - 1) % NG)

            wait_gather(p)

            @pl.when(r >= NO)
            def _():
                wait_store(r - NO, q)

            transpose(rows4.at[p], out2.at[q])
            start_store(r, q)
        return carry

    lax.fori_loop(0, ROWS_PER_W // NG, step, 0)
    wait_store(ROWS_PER_W - 2, 0)
    wait_store(ROWS_PER_W - 1, 1)


@jax.jit
def _run(x, embed_table):
    mesh = plsc.VectorSubcoreMesh(
        core_axis_name="c", subcore_axis_name="s", num_cores=NC, num_subcores=NS
    )
    f = pl.kernel(
        _body,
        out_type=jax.ShapeDtypeStruct((BATCH, EMBED, SEQ), jnp.float32),
        mesh=mesh,
        scratch_types=[
            pltpu.VMEM((ROWS_PER_W * SEQ,), jnp.int32),
            pltpu.VMEM((NG, SEQ, EMBED), jnp.float32),
            pltpu.VMEM((NO, EMBED, SEQ), jnp.float32),
            pltpu.SemaphoreType.DMA,
            pltpu.SemaphoreType.DMA,
            pltpu.SemaphoreType.DMA,
            pltpu.SemaphoreType.DMA,
            pltpu.SemaphoreType.DMA,
            pltpu.SemaphoreType.DMA,
        ],
        compiler_params=pltpu.CompilerParams(
            use_tc_tiling_on_sc=False, needs_layout_passes=False
        ),
    )
    return f(x.reshape(-1), embed_table)


def kernel(x, embed_table):
    return _run(x, embed_table)

# --- scband reference (transcript-rebuilt; emitter-appended) ---
"""Pipeline reference for scband-encoder-labels-70841190580646 (READ-ONLY COPY).

The authoritative reference and input builder live on the scoring server;
editing this copy changes nothing except your own understanding.
"""

import jax, jax.numpy as jnp
import numpy as np

NUM_CLASSES = 1000000
EMBED_SIZE = 64
BATCH = 4096
SEQ = 200

def setup_inputs(seed: int = 0) -> dict:
    key = jax.random.key(seed)
    k1, k2 = jax.random.split(key)
    x = jax.random.randint(k1, (BATCH, SEQ), 0, NUM_CLASSES, dtype=jnp.int64) if jax.config.jax_enable_x64 else jax.random.randint(k1, (BATCH, SEQ), 0, NUM_CLASSES, dtype=jnp.int32)
    embed_table = jax.random.normal(k2, (NUM_CLASSES, EMBED_SIZE), dtype=jnp.float32) * 0.05
    return {"x": x, "embed_table": embed_table}

def reference(x, embed_table):
    # Embedding lookup (keras Embedding with mask_zero=True still gathers row 0;
    # the mask only propagates downstream, it does not zero the embedding).
    embeddings = jnp.take(embed_table, x, axis=0)  # [B, L, E]
    # Dropout in eval/deterministic mode -> identity (reference uses training=False).
    # Transpose to [B, E, L] as in the original call.
    embeddings = jnp.transpose(embeddings, (0, 2, 1))
    return embeddings

if __name__ == "__main__":
    import jax
    _d = setup_inputs()
    print(jax.jit(kernel)(*tuple(_d.values())))

</pallas_src>

<mosaic_0001>
#map = affine_map<(d0, d1) -> (0)>
#map1 = affine_map<(d0, d1) -> (0, 0)>
#map2 = affine_map<(d0, d1) -> (0, 0, 0)>
module attributes {stable_mosaic.version = 14 : i64} {
  func.func @_body(%arg0: i32, %arg1: i32, %arg2: memref<819200xi32, #tpu.memory_space<hbm>>, %arg3: memref<1000000x64xf32, #tpu.memory_space<hbm>>, %arg4: memref<4096x64x200xf32, #tpu.memory_space<hbm>>, %arg5: memref<25600xi32, #tpu.memory_space<vmem>>, %arg6: memref<4x200x64xf32, #tpu.memory_space<vmem>>, %arg7: memref<2x64x200xf32, #tpu.memory_space<vmem>>, %arg8: memref<!tpu.dma_semaphore, #tpu.memory_space<semaphore_mem>>, %arg9: memref<!tpu.dma_semaphore, #tpu.memory_space<semaphore_mem>>, %arg10: memref<!tpu.dma_semaphore, #tpu.memory_space<semaphore_mem>>, %arg11: memref<!tpu.dma_semaphore, #tpu.memory_space<semaphore_mem>>, %arg12: memref<!tpu.dma_semaphore, #tpu.memory_space<semaphore_mem>>, %arg13: memref<!tpu.dma_semaphore, #tpu.memory_space<semaphore_mem>>) attributes {dimension_semantics = [#tpu.dimension_semantics<core_parallel>, #tpu.dimension_semantics<subcore_parallel>], iteration_bounds = array<i64: 2, 16>, scalar_prefetch = 0 : i64, scratch_operands = 9 : i64, tpu.core_type = #tpu.core_type<sc_vector_subcore>, window_params = [{transform_indices = #map}, {transform_indices = #map1}, {transform_indices = #map2}]} {
    %mul3A = arith.constant 2 : i32
    %mul3A_0 = arith.muli %arg1, %mul3A : i32
    %add3A = arith.addi %mul3A_0, %arg0 : i32
    %mul3A_1 = arith.constant 128 : i32
    %mul3A_2 = arith.muli %add3A, %mul3A_1 : i32
    %mul3A_3 = arith.constant 200 : i32
    %mul3A_4 = arith.muli %mul3A_2, %mul3A_3 : i32
    "tpu.region"() ({
      %run_scoped3A = tpu.sem_alloc : memref<!tpu.dma_semaphore, #tpu.memory_space<semaphore_mem>>
      %dma_start3A_124 = tpu.memref_slice %arg2[%mul3A_4] : memref<819200xi32, #tpu.memory_space<hbm>> -> memref<25600xi32, #tpu.memory_space<hbm>>
      %dma_start3A_125 = tpu.memref_slice %arg2[%mul3A_4] : memref<819200xi32, #tpu.memory_space<hbm>> -> memref<25600xi32, #tpu.memory_space<hbm>>
      tpu.enqueue_dma source(%dma_start3A_125 : memref<25600xi32, #tpu.memory_space<hbm>>) target(%arg5 : memref<25600xi32, #tpu.memory_space<vmem>>) target_semaphore(%run_scoped3A : memref<!tpu.dma_semaphore, #tpu.memory_space<semaphore_mem>>)
      %dma_wait3A_126 = tpu.memref_slice %arg2[%mul3A_4] : memref<819200xi32, #tpu.memory_space<hbm>> -> memref<25600xi32, #tpu.memory_space<hbm>>
      %dma_wait3A_127 = tpu.memref_slice %arg2[%mul3A_4] : memref<819200xi32, #tpu.memory_space<hbm>> -> memref<25600xi32, #tpu.memory_space<hbm>>
      tpu.wait_dma2 semaphore(%run_scoped3A : memref<!tpu.dma_semaphore, #tpu.memory_space<semaphore_mem>>) src(%dma_wait3A_127 : memref<25600xi32, #tpu.memory_space<hbm>>) dst(%arg5 : memref<25600xi32, #tpu.memory_space<vmem>>)
      tpu.yield
    }) : () -> ()
    %iota3A = tpu.iota {dimensions = array<i32: 0>} : vector<16xi32>
    %dma_start3A = arith.constant 0 : i32
    %dma_start3A_5 = arith.constant 0 : i32
    %dma_start3A_6 = arith.constant 0 : i32
    %dma_start3A_7 = tpu.memref_slice %arg6[%dma_start3A, %dma_start3A_5, %dma_start3A_6] : memref<4x200x64xf32, #tpu.memory_space<vmem>> -> memref<1x200x64xf32, #tpu.memory_space<vmem>>
    %dma_start3A_8 = tpu.memref_squeeze %dma_start3A_7 : memref<1x200x64xf32, #tpu.memory_space<vmem>> -> memref<200x64xf32, #tpu.memory_space<vmem>>
    %dma_start3A_9 = arith.constant 0 : i32
    %dma_start3A_10 = arith.constant 0 : i32
    %dma_start3A_11 = tpu.memref_slice %dma_start3A_8[%dma_start3A_9, %dma_start3A_10] : memref<200x64xf32, #tpu.memory_space<vmem>> -> memref<128x64xf32, #tpu.memory_space<vmem>>
    %dma_start3A_12 = arith.constant 0 : i32
    %dma_start3A_13 = tpu.memref_slice %arg5[%dma_start3A_12] : memref<25600xi32, #tpu.memory_space<vmem>> -> memref<128xi32, #tpu.memory_space<vmem>>
    %dma_start3A_14 = arith.constant 0 : i32
    %dma_start3A_15 = arith.constant 0 : i32
    %dma_start3A_16 = tpu.memref_slice %arg3[%dma_start3A_14, %dma_start3A_15] : memref<1000000x64xf32, #tpu.memory_space<hbm>> -> memref<1000000x64xf32, #tpu.memory_space<hbm>>
    tpu.enqueue_indirect_dma source(%dma_start3A_16 : memref<1000000x64xf32, #tpu.memory_space<hbm>>) target(%dma_start3A_11 : memref<128x64xf32, #tpu.memory_space<vmem>>) offsets(%dma_start3A_13 : memref<128xi32, #tpu.memory_space<vmem>>) semaphore(%arg8 : memref<!tpu.dma_semaphore, #tpu.memory_space<semaphore_mem>>)
    %dma_start3A_17 = arith.constant 0 : i32
    %dma_start3A_18 = arith.constant 0 : i32
    %dma_start3A_19 = arith.constant 0 : i32
    %dma_start3A_20 = tpu.memref_slice %arg6[%dma_start3A_17, %dma_start3A_18, %dma_start3A_19] : memref<4x200x64xf32, #tpu.memory_space<vmem>> -> memref<1x200x64xf32, #tpu.memory_space<vmem>>
    %dma_start3A_21 = tpu.memref_squeeze %dma_start3A_20 : memref<1x200x64xf32, #tpu.memory_space<vmem>> -> memref<200x64xf32, #tpu.memory_space<vmem>>
    %dma_start3A_22 = arith.constant 128 : i32
    %dma_start3A_23 = arith.constant 0 : i32
    %dma_start3A_24 = tpu.memref_slice %dma_start3A_21[%dma_start3A_22, %dma_start3A_23] : memref<200x64xf32, #tpu.memory_space<vmem>> -> memref<72x64xf32, #tpu.memory_space<vmem>>
    %dma_start3A_25 = arith.constant 128 : i32
    %dma_start3A_26 = tpu.memref_slice %arg5[%dma_start3A_25] : memref<25600xi32, #tpu.memory_space<vmem>> -> memref<72xi32, #tpu.memory_space<vmem>>
    %dma_start3A_27 = arith.constant 0 : i32
    %dma_start3A_28 = arith.constant 0 : i32
    %dma_start3A_29 = tpu.memref_slice %arg3[%dma_start3A_27, %dma_start3A_28] : memref<1000000x64xf32, #tpu.memory_space<hbm>> -> memref<1000000x64xf32, #tpu.memory_space<hbm>>
    tpu.enqueue_indirect_dma source(%dma_start3A_29 : memref<1000000x64xf32, #tpu.memory_space<hbm>>) target(%dma_start3A_24 : memref<72x64xf32, #tpu.memory_space<vmem>>) offsets(%dma_start3A_26 : memref<72xi32, #tpu.memory_space<vmem>>) semaphore(%arg8 : memref<!tpu.dma_semaphore, #tpu.memory_space<semaphore_mem>>)
    %dma_start3A_30 = arith.constant 1 : i32
    %dma_start3A_31 = arith.constant 0 : i32
    %dma_start3A_32 = arith.constant 0 : i32
    %dma_start3A_33 = tpu.memref_slice %arg6[%dma_start3A_30, %dma_start3A_31, %dma_start3A_32] : memref<4x200x64xf32, #tpu.memory_space<vmem>> -> memref<1x200x64xf32, #tpu.memory_space<vmem>>
    %dma_start3A_34 = tpu.memref_squeeze %dma_start3A_33 : memref<1x200x64xf32, #tpu.memory_space<vmem>> -> memref<200x64xf32, #tpu.memory_space<vmem>>
    %dma_start3A_35 = arith.constant 0 : i32
    %dma_start3A_36 = arith.constant 0 : i32
    %dma_start3A_37 = tpu.memref_slice %dma_start3A_34[%dma_start3A_35, %dma_start3A_36] : memref<200x64xf32, #tpu.memory_space<vmem>> -> memref<128x64xf32, #tpu.memory_space<vmem>>
    %dma_start3A_38 = arith.constant 200 : i32
    %dma_start3A_39 = tpu.memref_slice %arg5[%dma_start3A_38] : memref<25600xi32, #tpu.memory_space<vmem>> -> memref<128xi32, #tpu.memory_space<vmem>>
    %dma_start3A_40 = arith.constant 0 : i32
    %dma_start3A_41 = arith.constant 0 : i32
    %dma_start3A_42 = tpu.memref_slice %arg3[%dma_start3A_40, %dma_start3A_41] : memref<1000000x64xf32, #tpu.memory_space<hbm>> -> memref<1000000x64xf32, #tpu.memory_space<hbm>>
    tpu.enqueue_indirect_dma source(%dma_start3A_42 : memref<1000000x64xf32, #tpu.memory_space<hbm>>) target(%dma_start3A_37 : memref<128x64xf32, #tpu.memory_space<vmem>>) offsets(%dma_start3A_39 : memref<128xi32, #tpu.memory_space<vmem>>) semaphore(%arg9 : memref<!tpu.dma_semaphore, #tpu.memory_space<semaphore_mem>>)
    %dma_start3A_43 = arith.constant 1 : i32
    %dma_start3A_44 = arith.constant 0 : i32
    %dma_start3A_45 = arith.constant 0 : i32
    %dma_start3A_46 = tpu.memref_slice %arg6[%dma_start3A_43, %dma_start3A_44, %dma_start3A_45] : memref<4x200x64xf32, #tpu.memory_space<vmem>> -> memref<1x200x64xf32, #tpu.memory_space<vmem>>
    %dma_start3A_47 = tpu.memref_squeeze %dma_start3A_46 : memref<1x200x64xf32, #tpu.memory_space<vmem>> -> memref<200x64xf32, #tpu.memory_space<vmem>>
    %dma_start3A_48 = arith.constant 128 : i32
    %dma_start3A_49 = arith.constant 0 : i32
    %dma_start3A_50 = tpu.memref_slice %dma_start3A_47[%dma_start3A_48, %dma_start3A_49] : memref<200x64xf32, #tpu.memory_space<vmem>> -> memref<72x64xf32, #tpu.memory_space<vmem>>
    %dma_start3A_51 = arith.constant 328 : i32
    %dma_start3A_52 = tpu.memref_slice %arg5[%dma_start3A_51] : memref<25600xi32, #tpu.memory_space<vmem>> -> memref<72xi32, #tpu.memory_space<vmem>>
    %dma_start3A_53 = arith.constant 0 : i32
    %dma_start3A_54 = arith.constant 0 : i32
    %dma_start3A_55 = tpu.memref_slice %arg3[%dma_start3A_53, %dma_start3A_54] : memref<1000000x64xf32, #tpu.memory_space<hbm>> -> memref<1000000x64xf32, #tpu.memory_space<hbm>>
    tpu.enqueue_indirect_dma source(%dma_start3A_55 : memref<1000000x64xf32, #tpu.memory_space<hbm>>) target(%dma_start3A_50 : memref<72x64xf32, #tpu.memory_space<vmem>>) offsets(%dma_start3A_52 : memref<72xi32, #tpu.memory_space<vmem>>) semaphore(%arg9 : memref<!tpu.dma_semaphore, #tpu.memory_space<semaphore_mem>>)
    %dma_start3A_56 = arith.constant 2 : i32
    %dma_start3A_57 = arith.constant 0 : i32
    %dma_start3A_58 = arith.constant 0 : i32
    %dma_start3A_59 = tpu.memref_slice %arg6[%dma_start3A_56, %dma_start3A_57, %dma_start3A_58] : memref<4x200x64xf32, #tpu.memory_space<vmem>> -> memref<1x200x64xf32, #tpu.memory_space<vmem>>
    %dma_start3A_60 = tpu.memref_squeeze %dma_start3A_59 : memref<1x200x64xf32, #tpu.memory_space<vmem>> -> memref<200x64xf32, #tpu.memory_space<vmem>>
    %dma_start3A_61 = arith.constant 0 : i32
    %dma_start3A_62 = arith.constant 0 : i32
    %dma_start3A_63 = tpu.memref_slice %dma_start3A_60[%dma_start3A_61, %dma_start3A_62] : memref<200x64xf32, #tpu.memory_space<vmem>> -> memref<128x64xf32, #tpu.memory_space<vmem>>
    %dma_start3A_64 = arith.constant 400 : i32
    %dma_start3A_65 = tpu.memref_slice %arg5[%dma_start3A_64] : memref<25600xi32, #tpu.memory_space<vmem>> -> memref<128xi32, #tpu.memory_space<vmem>>
    %dma_start3A_66 = arith.constant 0 : i32
    %dma_start3A_67 = arith.constant 0 : i32
    %dma_start3A_68 = tpu.memref_slice %arg3[%dma_start3A_66, %dma_start3A_67] : memref<1000000x64xf32, #tpu.memory_space<hbm>> -> memref<1000000x64xf32, #tpu.memory_space<hbm>>
    tpu.enqueue_indirect_dma source(%dma_start3A_68 : memref<1000000x64xf32, #tpu.memory_space<hbm>>) target(%dma_start3A_63 : memref<128x64xf32, #tpu.memory_space<vmem>>) offsets(%dma_start3A_65 : memref<128xi32, #tpu.memory_space<vmem>>) semaphore(%arg10 : memref<!tpu.dma_semaphore, #tpu.memory_space<semaphore_mem>>)
    %dma_start3A_69 = arith.constant 2 : i32
    %dma_start3A_70 = arith.constant 0 : i32
    %dma_start3A_71 = arith.constant 0 : i32
    %dma_start3A_72 = tpu.memref_slice %arg6[%dma_start3A_69, %dma_start3A_70, %dma_start3A_71] : memref<4x200x64xf32, #tpu.memory_space<vmem>> -> memref<1x200x64xf32, #tpu.memory_space<vmem>>
    %dma_start3A_73 = tpu.memref_squeeze %dma_start3A_72 : memref<1x200x64xf32, #tpu.memory_space<vmem>> -> memref<200x64xf32, #tpu.memory_space<vmem>>
    %dma_start3A_74 = arith.constant 128 : i32
    %dma_start3A_75 = arith.constant 0 : i32
    %dma_start3A_76 = tpu.memref_slice %dma_start3A_73[%dma_start3A_74, %dma_start3A_75] : memref<200x64xf32, #tpu.memory_space<vmem>> -> memref<72x64xf32, #tpu.memory_space<vmem>>
    %dma_start3A_77 = arith.constant 528 : i32
    %dma_start3A_78 = tpu.memref_slice %arg5[%dma_start3A_77] : memref<25600xi32, #tpu.memory_space<vmem>> -> memref<72xi32, #tpu.memory_space<vmem>>
    %dma_start3A_79 = arith.constant 0 : i32
    %dma_start3A_80 = arith.constant 0 : i32
    %dma_start3A_81 = tpu.memref_slice %arg3[%dma_start3A_79, %dma_start3A_80] : memref<1000000x64xf32, #tpu.memory_space<hbm>> -> memref<1000000x64xf32, #tpu.memory_space<hbm>>
    tpu.enqueue_indirect_dma source(%dma_start3A_81 : memref<1000000x64xf32, #tpu.memory_space<hbm>>) target(%dma_start3A_76 : memref<72x64xf32, #tpu.memory_space<vmem>>) offsets(%dma_start3A_78 : memref<72xi32, #tpu.memory_space<vmem>>) semaphore(%arg10 : memref<!tpu.dma_semaphore, #tpu.memory_space<semaphore_mem>>)
    %scan3A = arith.constant 0 : i32
    %scan3A_82 = arith.constant 0 : i32
    %scan3A_83 = arith.constant 32 : i32
    %scan3A_84 = arith.addi %scan3A_82, %scan3A_83 : i32
    %scan3A_85 = arith.constant 1 : i32
    scf.for %scan3A_124 = %scan3A_82 to %scan3A_84 step %scan3A_85  : i32 {
      %mul3A_125 = arith.constant 4 : i32
      %mul3A_126 = arith.muli %mul3A_125, %scan3A_124 : i32
      %add3A_127 = arith.constant 0 : i32
      %add3A_128 = arith.addi %mul3A_126, %add3A_127 : i32
      %add3A_129 = arith.constant 3 : i32
      %add3A_130 = arith.addi %add3A_128, %add3A_129 : i32
      %lt3A = arith.constant 128 : i32
      %lt3A_131 = arith.cmpi slt, %add3A_130, %lt3A : i32
      %convert_element_type3A = arith.extui %lt3A_131 : i1 to i32
      %cond3A = arith.constant 0 : i32
      %cond3A_132 = arith.cmpi ne, %convert_element_type3A, %cond3A : i32
      scf.if %cond3A_132 {
        %add3A_444 = arith.constant 3 : i32
        %add3A_445 = arith.addi %add3A_128, %add3A_444 : i32
        %mul3A_446 = arith.constant 200 : i32
        %mul3A_447 = arith.muli %add3A_445, %mul3A_446 : i32
        %add3A_448 = arith.constant 0 : i32
        %add3A_449 = arith.addi %mul3A_447, %add3A_448 : i32
        %dma_start3A_450 = arith.constant 3 : i32
        %dma_start3A_451 = arith.constant 0 : i32
        %dma_start3A_452 = arith.constant 0 : i32
        %dma_start3A_453 = tpu.memref_slice %arg6[%dma_start3A_450, %dma_start3A_451, %dma_start3A_452] : memref<4x200x64xf32, #tpu.memory_space<vmem>> -> memref<1x200x64xf32, #tpu.memory_space<vmem>>
        %dma_start3A_454 = tpu.memref_squeeze %dma_start3A_453 : memref<1x200x64xf32, #tpu.memory_space<vmem>> -> memref<200x64xf32, #tpu.memory_space<vmem>>
        %dma_start3A_455 = arith.constant 0 : i32
        %dma_start3A_456 = arith.constant 0 : i32
        %dma_start3A_457 = tpu.memref_slice %dma_start3A_454[%dma_start3A_455, %dma_start3A_456] : memref<200x64xf32, #tpu.memory_space<vmem>> -> memref<128x64xf32, #tpu.memory_space<vmem>>
        %dma_start3A_458 = tpu.memref_slice %arg5[%add3A_449] : memref<25600xi32, #tpu.memory_space<vmem>> -> memref<128xi32, #tpu.memory_space<vmem>>
        %dma_start3A_459 = arith.constant 0 : i32
        %dma_start3A_460 = arith.constant 0 : i32
        %dma_start3A_461 = tpu.memref_slice %arg3[%dma_start3A_459, %dma_start3A_460] : memref<1000000x64xf32, #tpu.memory_space<hbm>> -> memref<1000000x64xf32, #tpu.memory_space<hbm>>
        tpu.enqueue_indirect_dma source(%dma_start3A_461 : memref<1000000x64xf32, #tpu.memory_space<hbm>>) target(%dma_start3A_457 : memref<128x64xf32, #tpu.memory_space<vmem>>) offsets(%dma_start3A_458 : memref<128xi32, #tpu.memory_space<vmem>>) semaphore(%arg11 : memref<!tpu.dma_semaphore, #tpu.memory_space<semaphore_mem>>)
        %add3A_462 = arith.constant 128 : i32
        %add3A_463 = arith.addi %mul3A_447, %add3A_462 : i32
        %dma_start3A_464 = arith.constant 3 : i32
        %dma_start3A_465 = arith.constant 0 : i32
        %dma_start3A_466 = arith.constant 0 : i32
        %dma_start3A_467 = tpu.memref_slice %arg6[%dma_start3A_464, %dma_start3A_465, %dma_start3A_466] : memref<4x200x64xf32, #tpu.memory_space<vmem>> -> memref<1x200x64xf32, #tpu.memory_space<vmem>>
        %dma_start3A_468 = tpu.memref_squeeze %dma_start3A_467 : memref<1x200x64xf32, #tpu.memory_space<vmem>> -> memref<200x64xf32, #tpu.memory_space<vmem>>
        %dma_start3A_469 = arith.constant 128 : i32
        %dma_start3A_470 = arith.constant 0 : i32
        %dma_start3A_471 = tpu.memref_slice %dma_start3A_468[%dma_start3A_469, %dma_start3A_470] : memref<200x64xf32, #tpu.memory_space<vmem>> -> memref<72x64xf32, #tpu.memory_space<vmem>>
        %dma_start3A_472 = tpu.memref_slice %arg5[%add3A_463] : memref<25600xi32, #tpu.memory_space<vmem>> -> memref<72xi32, #tpu.memory_space<vmem>>
        %dma_start3A_473 = arith.constant 0 : i32
        %dma_start3A_474 = arith.constant 0 : i32
        %dma_start3A_475 = tpu.memref_slice %arg3[%dma_start3A_473, %dma_start3A_474] : memref<1000000x64xf32, #tpu.memory_space<hbm>> -> memref<1000000x64xf32, #tpu.memory_space<hbm>>
        tpu.enqueue_indirect_dma source(%dma_start3A_475 : memref<1000000x64xf32, #tpu.memory_space<hbm>>) target(%dma_start3A_471 : memref<72x64xf32, #tpu.memory_space<vmem>>) offsets(%dma_start3A_472 : memref<72xi32, #tpu.memory_space<vmem>>) semaphore(%arg11 : memref<!tpu.dma_semaphore, #tpu.memory_space<semaphore_mem>>)
      } else {
      }
      %dma_wait3A_133 = arith.constant 0 : i32
      %dma_wait3A_134 = arith.constant 0 : i32
      %dma_wait3A_135 = arith.constant 0 : i32
      %dma_wait3A_136 = tpu.memref_slice %arg6[%dma_wait3A_133, %dma_wait3A_134, %dma_wait3A_135] : memref<4x200x64xf32, #tpu.memory_space<vmem>> -> memref<1x200x64xf32, #tpu.memory_space<vmem>>
      %dma_wait3A_137 = tpu.memref_squeeze %dma_wait3A_136 : memref<1x200x64xf32, #tpu.memory_space<vmem>> -> memref<200x64xf32, #tpu.memory_space<vmem>>
      %dma_wait3A_138 = arith.constant 0 : i32
      %dma_wait3A_139 = arith.constant 0 : i32
      %dma_wait3A_140 = tpu.memref_slice %dma_wait3A_137[%dma_wait3A_138, %dma_wait3A_139] : memref<200x64xf32, #tpu.memory_space<vmem>> -> memref<128x64xf32, #tpu.memory_space<vmem>>
      %dma_wait3A_141 = arith.constant 0 : i32
      %dma_wait3A_142 = arith.constant 0 : i32
      %dma_wait3A_143 = tpu.memref_slice %arg3[%dma_wait3A_141, %dma_wait3A_142] : memref<1000000x64xf32, #tpu.memory_space<hbm>> -> memref<128x64xf32, #tpu.memory_space<hbm>>
      %dma_wait3A_144 = arith.constant 0 : i32
      %dma_wait3A_145 = arith.constant 0 : i32
      %dma_wait3A_146 = tpu.memref_slice %arg6[%dma_wait3A_133, %dma_wait3A_144, %dma_wait3A_145] : memref<4x200x64xf32, #tpu.memory_space<vmem>> -> memref<1x200x64xf32, #tpu.memory_space<vmem>>
      %dma_wait3A_147 = tpu.memref_squeeze %dma_wait3A_146 : memref<1x200x64xf32, #tpu.memory_space<vmem>> -> memref<200x64xf32, #tpu.memory_space<vmem>>
      %dma_wait3A_148 = arith.constant 0 : i32
      %dma_wait3A_149 = arith.constant 0 : i32
      %dma_wait3A_150 = tpu.memref_slice %dma_wait3A_147[%dma_wait3A_148, %dma_wait3A_149] : memref<200x64xf32, #tpu.memory_space<vmem>> -> memref<128x64xf32, #tpu.memory_space<vmem>>
      %dma_wait3A_151 = arith.constant 0 : i32
      %dma_wait3A_152 = arith.constant 0 : i32
      %dma_wait3A_153 = tpu.memref_slice %arg3[%dma_wait3A_151, %dma_wait3A_152] : memref<1000000x64xf32, #tpu.memory_space<hbm>> -> memref<128x64xf32, #tpu.memory_space<hbm>>
      tpu.wait_dma2 semaphore(%arg8 : memref<!tpu.dma_semaphore, #tpu.memory_space<semaphore_mem>>) src(%dma_wait3A_153 : memref<128x64xf32, #tpu.memory_space<hbm>>) dst(%dma_wait3A_150 : memref<128x64xf32, #tpu.memory_space<vmem>>)
      %dma_wait3A_154 = arith.constant 0 : i32
      %dma_wait3A_155 = arith.constant 0 : i32
      %dma_wait3A_156 = arith.constant 0 : i32
      %dma_wait3A_157 = tpu.memref_slice %arg6[%dma_wait3A_154, %dma_wait3A_155, %dma_wait3A_156] : memref<4x200x64xf32, #tpu.memory_space<vmem>> -> memref<1x200x64xf32, #tpu.memory_space<vmem>>
      %dma_wait3A_158 = tpu.memref_squeeze %dma_wait3A_157 : memref<1x200x64xf32, #tpu.memory_space<vmem>> -> memref<200x64xf32, #tpu.memory_space<vmem>>
      %dma_wait3A_159 = arith.constant 128 : i32
      %dma_wait3A_160 = arith.constant 0 : i32
      %dma_wait3A_161 = tpu.memref_slice %dma_wait3A_158[%dma_wait3A_159, %dma_wait3A_160] : memref<200x64xf32, #tpu.memory_space<vmem>> -> memref<72x64xf32, #tpu.memory_space<vmem>>
      %dma_wait3A_162 = arith.constant 0 : i32
      %dma_wait3A_163 = arith.constant 0 : i32
      %dma_wait3A_164 = tpu.memref_slice %arg3[%dma_wait3A_162, %dma_wait3A_163] : memref<1000000x64xf32, #tpu.memory_space<hbm>> -> memref<72x64xf32, #tpu.memory_space<hbm>>
      %dma_wait3A_165 = arith.constant 0 : i32
      %dma_wait3A_166 = arith.constant 0 : i32
      %dma_wait3A_167 = tpu.memref_slice %arg6[%dma_wait3A_154, %dma_wait3A_165, %dma_wait3A_166] : memref<4x200x64xf32, #tpu.memory_space<vmem>> -> memref<1x200x64xf32, #tpu.memory_space<vmem>>
      %dma_wait3A_168 = tpu.memref_squeeze %dma_wait3A_167 : memref<1x200x64xf32, #tpu.memory_space<vmem>> -> memref<200x64xf32, #tpu.memory_space<vmem>>
      %dma_wait3A_169 = arith.constant 128 : i32
      %dma_wait3A_170 = arith.constant 0 : i32
      %dma_wait3A_171 = tpu.memref_slice %dma_wait3A_168[%dma_wait3A_169, %dma_wait3A_170] : memref<200x64xf32, #tpu.memory_space<vmem>> -> memref<72x64xf32, #tpu.memory_space<vmem>>
      %dma_wait3A_172 = arith.constant 0 : i32
      %dma_wait3A_173 = arith.constant 0 : i32
      %dma_wait3A_174 = tpu.memref_slice %arg3[%dma_wait3A_172, %dma_wait3A_173] : memref<1000000x64xf32, #tpu.memory_space<hbm>> -> memref<72x64xf32, #tpu.memory_space<hbm>>
      tpu.wait_dma2 semaphore(%arg8 : memref<!tpu.dma_semaphore, #tpu.memory_space<semaphore_mem>>) src(%dma_wait3A_174 : memref<72x64xf32, #tpu.memory_space<hbm>>) dst(%dma_wait3A_171 : memref<72x64xf32, #tpu.memory_space<vmem>>)
      %ge3A = arith.constant 2 : i32
      %ge3A_175 = arith.cmpi sge, %add3A_128, %ge3A : i32
      %convert_element_type3A_176 = arith.extui %ge3A_175 : i1 to i32
      %cond3A_177 = arith.constant 0 : i32
      %cond3A_178 = arith.cmpi ne, %convert_element_type3A_176, %cond3A_177 : i32
      scf.if %cond3A_178 {
        %sub3A = arith.constant 2 : i32
        %sub3A_444 = arith.subi %add3A_128, %sub3A : i32
        %add3A_445 = arith.addi %mul3A_2, %sub3A_444 : i32
        %dma_wait3A_446 = arith.constant 0 : i32
        %dma_wait3A_447 = arith.constant 0 : i32
        %dma_wait3A_448 = arith.constant 0 : i32
        %dma_wait3A_449 = tpu.memref_slice %arg7[%dma_wait3A_446, %dma_wait3A_447, %dma_wait3A_448] : memref<2x64x200xf32, #tpu.memory_space<vmem>> -> memref<1x64x200xf32, #tpu.memory_space<vmem>>
        %dma_wait3A_450 = tpu.memref_squeeze %dma_wait3A_449 : memref<1x64x200xf32, #tpu.memory_space<vmem>> -> memref<64x200xf32, #tpu.memory_space<vmem>>
        %dma_wait3A_451 = arith.constant 0 : i32
        %dma_wait3A_452 = arith.constant 0 : i32
        %dma_wait3A_453 = tpu.memref_slice %arg4[%add3A_445, %dma_wait3A_451, %dma_wait3A_452] : memref<4096x64x200xf32, #tpu.memory_space<hbm>> -> memref<1x64x200xf32, #tpu.memory_space<hbm>>
        %dma_wait3A_454 = tpu.memref_squeeze %dma_wait3A_453 : memref<1x64x200xf32, #tpu.memory_space<hbm>> -> memref<64x200xf32, #tpu.memory_space<hbm>>
        %dma_wait3A_455 = arith.constant 0 : i32
        %dma_wait3A_456 = arith.constant 0 : i32
        %dma_wait3A_457 = tpu.memref_slice %arg4[%add3A_445, %dma_wait3A_455, %dma_wait3A_456] : memref<4096x64x200xf32, #tpu.memory_space<hbm>> -> memref<1x64x200xf32, #tpu.memory_space<hbm>>
        %dma_wait3A_458 = tpu.memref_squeeze %dma_wait3A_457 : memref<1x64x200xf32, #tpu.memory_space<hbm>> -> memref<64x200xf32, #tpu.memory_space<hbm>>
        %dma_wait3A_459 = arith.constant 0 : i32
        %dma_wait3A_460 = arith.constant 0 : i32
        %dma_wait3A_461 = tpu.memref_slice %arg7[%dma_wait3A_446, %dma_wait3A_459, %dma_wait3A_460] : memref<2x64x200xf32, #tpu.memory_space<vmem>> -> memref<1x64x200xf32, #tpu.memory_space<vmem>>
        %dma_wait3A_462 = tpu.memref_squeeze %dma_wait3A_461 : memref<1x64x200xf32, #tpu.memory_space<vmem>> -> memref<64x200xf32, #tpu.memory_space<vmem>>
        tpu.wait_dma2 semaphore(%arg12 : memref<!tpu.dma_semaphore, #tpu.memory_space<semaphore_mem>>) src(%dma_wait3A_462 : memref<64x200xf32, #tpu.memory_space<vmem>>) dst(%dma_wait3A_458 : memref<64x200xf32, #tpu.memory_space<hbm>>)
      } else {
      }
      %parallel_loop3A = arith.constant 0 : i32
      %parallel_loop3A_179 = arith.constant 200 : i32
      %parallel_loop3A_180 = arith.constant 1 : i32
      %parallel_loop3A_181 = arith.constant 0 : i32
      %parallel_loop3A_182 = arith.constant 0 : i32
      scf.for %parallel_loop3A_444 = %parallel_loop3A to %parallel_loop3A_179 step %parallel_loop3A_180  : i32 {
        %parallel_loop3A_445 = vector.broadcast %parallel_loop3A_444 : i32 to vector<16xi32>
        %parallel_loop3A_446 = arith.constant 0 : i32
        %parallel_loop3A_447 = arith.constant 0 : i32
        %parallel_loop3A_448 = tpu.memref_slice %arg6[%parallel_loop3A_181, %parallel_loop3A_446, %parallel_loop3A_447] : memref<4x200x64xf32, #tpu.memory_space<vmem>> -> memref<1x200x64xf32, #tpu.memory_space<vmem>>
        %parallel_loop3A_449 = tpu.memref_squeeze %parallel_loop3A_448 : memref<1x200x64xf32, #tpu.memory_space<vmem>> -> memref<200x64xf32, #tpu.memory_space<vmem>>
        %parallel_loop3A_450 = arith.index_cast %parallel_loop3A_444 : i32 to index
        %parallel_loop3A_451 = arith.constant 0 : index
        %parallel_loop3A_452 = tpu.vector_load %parallel_loop3A_449[%parallel_loop3A_450, %parallel_loop3A_451] {strides = array<i32>} : memref<200x64xf32, #tpu.memory_space<vmem>>, vector<16xf32>,
        %parallel_loop3A_453 = arith.constant 0 : i32
        %parallel_loop3A_454 = vector.broadcast %parallel_loop3A_453 : i32 to vector<16xi32>
        %parallel_loop3A_455 = arith.addi %iota3A, %parallel_loop3A_454 : vector<16xi32>
        %parallel_loop3A_456 = arith.constant 0 : i32
        %parallel_loop3A_457 = arith.constant 0 : i32
        %parallel_loop3A_458 = tpu.memref_slice %arg7[%parallel_loop3A_182, %parallel_loop3A_456, %parallel_loop3A_457] : memref<2x64x200xf32, #tpu.memory_space<vmem>> -> memref<1x64x200xf32, #tpu.memory_space<vmem>>
        %parallel_loop3A_459 = tpu.memref_squeeze %parallel_loop3A_458 : memref<1x64x200xf32, #tpu.memory_space<vmem>> -> memref<64x200xf32, #tpu.memory_space<vmem>>
        tpu.vector_store_idx %parallel_loop3A_459[%parallel_loop3A_455, %parallel_loop3A_445], %parallel_loop3A_452 : memref<64x200xf32, #tpu.memory_space<vmem>>[vector<16xi32>, vector<16xi32>], vector<16xf32>,
        %parallel_loop3A_460 = arith.constant 0 : i32
        %parallel_loop3A_461 = arith.constant 0 : i32
        %parallel_loop3A_462 = tpu.memref_slice %arg6[%parallel_loop3A_181, %parallel_loop3A_460, %parallel_loop3A_461] : memref<4x200x64xf32, #tpu.memory_space<vmem>> -> memref<1x200x64xf32, #tpu.memory_space<vmem>>
        %parallel_loop3A_463 = tpu.memref_squeeze %parallel_loop3A_462 : memref<1x200x64xf32, #tpu.memory_space<vmem>> -> memref<200x64xf32, #tpu.memory_space<vmem>>
        %parallel_loop3A_464 = arith.index_cast %parallel_loop3A_444 : i32 to index
        %parallel_loop3A_465 = arith.constant 16 : index
        %parallel_loop3A_466 = tpu.vector_load %parallel_loop3A_463[%parallel_loop3A_464, %parallel_loop3A_465] {strides = array<i32>} : memref<200x64xf32, #tpu.memory_space<vmem>>, vector<16xf32>,
        %parallel_loop3A_467 = arith.constant 16 : i32
        %parallel_loop3A_468 = vector.broadcast %parallel_loop3A_467 : i32 to vector<16xi32>
        %parallel_loop3A_469 = arith.addi %iota3A, %parallel_loop3A_468 : vector<16xi32>
        %parallel_loop3A_470 = arith.constant 0 : i32
        %parallel_loop3A_471 = arith.constant 0 : i32
        %parallel_loop3A_472 = tpu.memref_slice %arg7[%parallel_loop3A_182, %parallel_loop3A_470, %parallel_loop3A_471] : memref<2x64x200xf32, #tpu.memory_space<vmem>> -> memref<1x64x200xf32, #tpu.memory_space<vmem>>
        %parallel_loop3A_473 = tpu.memref_squeeze %parallel_loop3A_472 : memref<1x64x200xf32, #tpu.memory_space<vmem>> -> memref<64x200xf32, #tpu.memory_space<vmem>>
        tpu.vector_store_idx %parallel_loop3A_473[%parallel_loop3A_469, %parallel_loop3A_445], %parallel_loop3A_466 : memref<64x200xf32, #tpu.memory_space<vmem>>[vector<16xi32>, vector<16xi32>], vector<16xf32>,
        %parallel_loop3A_474 = arith.constant 0 : i32
        %parallel_loop3A_475 = arith.constant 0 : i32
        %parallel_loop3A_476 = tpu.memref_slice %arg6[%parallel_loop3A_181, %parallel_loop3A_474, %parallel_loop3A_475] : memref<4x200x64xf32, #tpu.memory_space<vmem>> -> memref<1x200x64xf32, #tpu.memory_space<vmem>>
        %parallel_loop3A_477 = tpu.memref_squeeze %parallel_loop3A_476 : memref<1x200x64xf32, #tpu.memory_space<vmem>> -> memref<200x64xf32, #tpu.memory_space<vmem>>
        %parallel_loop3A_478 = arith.index_cast %parallel_loop3A_444 : i32 to index
        %parallel_loop3A_479 = arith.constant 32 : index
        %parallel_loop3A_480 = tpu.vector_load %parallel_loop3A_477[%parallel_loop3A_478, %parallel_loop3A_479] {strides = array<i32>} : memref<200x64xf32, #tpu.memory_space<vmem>>, vector<16xf32>,
        %parallel_loop3A_481 = arith.constant 32 : i32
        %parallel_loop3A_482 = vector.broadcast %parallel_loop3A_481 : i32 to vector<16xi32>
        %parallel_loop3A_483 = arith.addi %iota3A, %parallel_loop3A_482 : vector<16xi32>
        %parallel_loop3A_484 = arith.constant 0 : i32
        %parallel_loop3A_485 = arith.constant 0 : i32
        %parallel_loop3A_486 = tpu.memref_slice %arg7[%parallel_loop3A_182, %parallel_loop3A_484, %parallel_loop3A_485] : memref<2x64x200xf32, #tpu.memory_space<vmem>> -> memref<1x64x200xf32, #tpu.memory_space<vmem>>
        %parallel_loop3A_487 = tpu.memref_squeeze %parallel_loop3A_486 : memref<1x64x200xf32, #tpu.memory_space<vmem>> -> memref<64x200xf32, #tpu.memory_space<vmem>>
        tpu.vector_store_idx %parallel_loop3A_487[%parallel_loop3A_483, %parallel_loop3A_445], %parallel_loop3A_480 : memref<64x200xf32, #tpu.memory_space<vmem>>[vector<16xi32>, vector<16xi32>], vector<16xf32>,
        %parallel_loop3A_488 = arith.constant 0 : i32
        %parallel_loop3A_489 = arith.constant 0 : i32
        %parallel_loop3A_490 = tpu.memref_slice %arg6[%parallel_loop3A_181, %parallel_loop3A_488, %parallel_loop3A_489] : memref<4x200x64xf32, #tpu.memory_space<vmem>> -> memref<1x200x64xf32, #tpu.memory_space<vmem>>
        %parallel_loop3A_491 = tpu.memref_squeeze %parallel_loop3A_490 : memref<1x200x64xf32, #tpu.memory_space<vmem>> -> memref<200x64xf32, #tpu.memory_space<vmem>>
        %parallel_loop3A_492 = arith.index_cast %parallel_loop3A_444 : i32 to index
        %parallel_loop3A_493 = arith.constant 48 : index
        %parallel_loop3A_494 = tpu.vector_load %parallel_loop3A_491[%parallel_loop3A_492, %parallel_loop3A_493] {strides = array<i32>} : memref<200x64xf32, #tpu.memory_space<vmem>>, vector<16xf32>,
        %parallel_loop3A_495 = arith.constant 48 : i32
        %parallel_loop3A_496 = vector.broadcast %parallel_loop3A_495 : i32 to vector<16xi32>
        %parallel_loop3A_497 = arith.addi %iota3A, %parallel_loop3A_496 : vector<16xi32>
        %parallel_loop3A_498 = arith.constant 0 : i32
        %parallel_loop3A_499 = arith.constant 0 : i32
        %parallel_loop3A_500 = tpu.memref_slice %arg7[%parallel_loop3A_182, %parallel_loop3A_498, %parallel_loop3A_499] : memref<2x64x200xf32, #tpu.memory_space<vmem>> -> memref<1x64x200xf32, #tpu.memory_space<vmem>>
        %parallel_loop3A_501 = tpu.memref_squeeze %parallel_loop3A_500 : memref<1x64x200xf32, #tpu.memory_space<vmem>> -> memref<64x200xf32, #tpu.memory_space<vmem>>
        tpu.vector_store_idx %parallel_loop3A_501[%parallel_loop3A_497, %parallel_loop3A_445], %parallel_loop3A_494 : memref<64x200xf32, #tpu.memory_space<vmem>>[vector<16xi32>, vector<16xi32>], vector<16xf32>,
      } {sc.loop_unroll_factor = 4 : i64, sc.parallel_access}
      %add3A_183 = arith.addi %mul3A_2, %add3A_128 : i32
      %dma_start3A_184 = arith.constant 0 : i32
      %dma_start3A_185 = arith.constant 0 : i32
      %dma_start3A_186 = arith.constant 0 : i32
      %dma_start3A_187 = tpu.memref_slice %arg7[%dma_start3A_184, %dma_start3A_185, %dma_start3A_186] : memref<2x64x200xf32, #tpu.memory_space<vmem>> -> memref<1x64x200xf32, #tpu.memory_space<vmem>>
      %dma_start3A_188 = tpu.memref_squeeze %dma_start3A_187 : memref<1x64x200xf32, #tpu.memory_space<vmem>> -> memref<64x200xf32, #tpu.memory_space<vmem>>
      %dma_start3A_189 = arith.constant 0 : i32
      %dma_start3A_190 = arith.constant 0 : i32
      %dma_start3A_191 = tpu.memref_slice %arg4[%add3A_183, %dma_start3A_189, %dma_start3A_190] : memref<4096x64x200xf32, #tpu.memory_space<hbm>> -> memref<1x64x200xf32, #tpu.memory_space<hbm>>
      %dma_start3A_192 = tpu.memref_squeeze %dma_start3A_191 : memref<1x64x200xf32, #tpu.memory_space<hbm>> -> memref<64x200xf32, #tpu.memory_space<hbm>>
      %dma_start3A_193 = arith.constant 0 : i32
      %dma_start3A_194 = arith.constant 0 : i32
      %dma_start3A_195 = tpu.memref_slice %arg4[%add3A_183, %dma_start3A_193, %dma_start3A_194] : memref<4096x64x200xf32, #tpu.memory_space<hbm>> -> memref<1x64x200xf32, #tpu.memory_space<hbm>>
      %dma_start3A_196 = tpu.memref_squeeze %dma_start3A_195 : memref<1x64x200xf32, #tpu.memory_space<hbm>> -> memref<64x200xf32, #tpu.memory_space<hbm>>
      %dma_start3A_197 = arith.constant 0 : i32
      %dma_start3A_198 = arith.constant 0 : i32
      %dma_start3A_199 = tpu.memref_slice %arg7[%dma_start3A_184, %dma_start3A_197, %dma_start3A_198] : memref<2x64x200xf32, #tpu.memory_space<vmem>> -> memref<1x64x200xf32, #tpu.memory_space<vmem>>
      %dma_start3A_200 = tpu.memref_squeeze %dma_start3A_199 : memref<1x64x200xf32, #tpu.memory_space<vmem>> -> memref<64x200xf32, #tpu.memory_space<vmem>>
      tpu.enqueue_dma source(%dma_start3A_200 : memref<64x200xf32, #tpu.memory_space<vmem>>) target(%dma_start3A_196 : memref<64x200xf32, #tpu.memory_space<hbm>>) target_semaphore(%arg12 : memref<!tpu.dma_semaphore, #tpu.memory_space<semaphore_mem>>)
      %mul3A_201 = arith.constant 4 : i32
      %mul3A_202 = arith.muli %mul3A_201, %scan3A_124 : i32
      %add3A_203 = arith.constant 1 : i32
      %add3A_204 = arith.addi %mul3A_202, %add3A_203 : i32
      %add3A_205 = arith.constant 3 : i32
      %add3A_206 = arith.addi %add3A_204, %add3A_205 : i32
      %lt3A_207 = arith.constant 128 : i32
      %lt3A_208 = arith.cmpi slt, %add3A_206, %lt3A_207 : i32
      %convert_element_type3A_209 = arith.extui %lt3A_208 : i1 to i32
      %cond3A_210 = arith.constant 0 : i32
      %cond3A_211 = arith.cmpi ne, %convert_element_type3A_209, %cond3A_210 : i32
      scf.if %cond3A_211 {
        %add3A_444 = arith.constant 3 : i32
        %add3A_445 = arith.addi %add3A_204, %add3A_444 : i32
        %mul3A_446 = arith.constant 200 : i32
        %mul3A_447 = arith.muli %add3A_445, %mul3A_446 : i32
        %add3A_448 = arith.constant 0 : i32
        %add3A_449 = arith.addi %mul3A_447, %add3A_448 : i32
        %dma_start3A_450 = arith.constant 0 : i32
        %dma_start3A_451 = arith.constant 0 : i32
        %dma_start3A_452 = arith.constant 0 : i32
        %dma_start3A_453 = tpu.memref_slice %arg6[%dma_start3A_450, %dma_start3A_451, %dma_start3A_452] : memref<4x200x64xf32, #tpu.memory_space<vmem>> -> memref<1x200x64xf32, #tpu.memory_space<vmem>>
        %dma_start3A_454 = tpu.memref_squeeze %dma_start3A_453 : memref<1x200x64xf32, #tpu.memory_space<vmem>> -> memref<200x64xf32, #tpu.memory_space<vmem>>
        %dma_start3A_455 = arith.constant 0 : i32
        %dma_start3A_456 = arith.constant 0 : i32
        %dma_start3A_457 = tpu.memref_slice %dma_start3A_454[%dma_start3A_455, %dma_start3A_456] : memref<200x64xf32, #tpu.memory_space<vmem>> -> memref<128x64xf32, #tpu.memory_space<vmem>>
        %dma_start3A_458 = tpu.memref_slice %arg5[%add3A_449] : memref<25600xi32, #tpu.memory_space<vmem>> -> memref<128xi32, #tpu.memory_space<vmem>>
        %dma_start3A_459 = arith.constant 0 : i32
        %dma_start3A_460 = arith.constant 0 : i32
        %dma_start3A_461 = tpu.memref_slice %arg3[%dma_start3A_459, %dma_start3A_460] : memref<1000000x64xf32, #tpu.memory_space<hbm>> -> memref<1000000x64xf32, #tpu.memory_space<hbm>>
        tpu.enqueue_indirect_dma source(%dma_start3A_461 : memref<1000000x64xf32, #tpu.memory_space<hbm>>) target(%dma_start3A_457 : memref<128x64xf32, #tpu.memory_space<vmem>>) offsets(%dma_start3A_458 : memref<128xi32, #tpu.memory_space<vmem>>) semaphore(%arg8 : memref<!tpu.dma_semaphore, #tpu.memory_space<semaphore_mem>>)
        %add3A_462 = arith.constant 128 : i32
        %add3A_463 = arith.addi %mul3A_447, %add3A_462 : i32
        %dma_start3A_464 = arith.constant 0 : i32
        %dma_start3A_465 = arith.constant 0 : i32
        %dma_start3A_466 = arith.constant 0 : i32
        %dma_start3A_467 = tpu.memref_slice %arg6[%dma_start3A_464, %dma_start3A_465, %dma_start3A_466] : memref<4x200x64xf32, #tpu.memory_space<vmem>> -> memref<1x200x64xf32, #tpu.memory_space<vmem>>
        %dma_start3A_468 = tpu.memref_squeeze %dma_start3A_467 : memref<1x200x64xf32, #tpu.memory_space<vmem>> -> memref<200x64xf32, #tpu.memory_space<vmem>>
        %dma_start3A_469 = arith.constant 128 : i32
        %dma_start3A_470 = arith.constant 0 : i32
        %dma_start3A_471 = tpu.memref_slice %dma_start3A_468[%dma_start3A_469, %dma_start3A_470] : memref<200x64xf32, #tpu.memory_space<vmem>> -> memref<72x64xf32, #tpu.memory_space<vmem>>
        %dma_start3A_472 = tpu.memref_slice %arg5[%add3A_463] : memref<25600xi32, #tpu.memory_space<vmem>> -> memref<72xi32, #tpu.memory_space<vmem>>
        %dma_start3A_473 = arith.constant 0 : i32
        %dma_start3A_474 = arith.constant 0 : i32
        %dma_start3A_475 = tpu.memref_slice %arg3[%dma_start3A_473, %dma_start3A_474] : memref<1000000x64xf32, #tpu.memory_space<hbm>> -> memref<1000000x64xf32, #tpu.memory_space<hbm>>
        tpu.enqueue_indirect_dma source(%dma_start3A_475 : memref<1000000x64xf32, #tpu.memory_space<hbm>>) target(%dma_start3A_471 : memref<72x64xf32, #tpu.memory_space<vmem>>) offsets(%dma_start3A_472 : memref<72xi32, #tpu.memory_space<vmem>>) semaphore(%arg8 : memref<!tpu.dma_semaphore, #tpu.memory_space<semaphore_mem>>)
      } else {
      }
      %dma_wait3A_212 = arith.constant 1 : i32
      %dma_wait3A_213 = arith.constant 0 : i32
      %dma_wait3A_214 = arith.constant 0 : i32
      %dma_wait3A_215 = tpu.memref_slice %arg6[%dma_wait3A_212, %dma_wait3A_213, %dma_wait3A_214] : memref<4x200x64xf32, #tpu.memory_space<vmem>> -> memref<1x200x64xf32, #tpu.memory_space<vmem>>
      %dma_wait3A_216 = tpu.memref_squeeze %dma_wait3A_215 : memref<1x200x64xf32, #tpu.memory_space<vmem>> -> memref<200x64xf32, #tpu.memory_space<vmem>>
      %dma_wait3A_217 = arith.constant 0 : i32
      %dma_wait3A_218 = arith.constant 0 : i32
      %dma_wait3A_219 = tpu.memref_slice %dma_wait3A_216[%dma_wait3A_217, %dma_wait3A_218] : memref<200x64xf32, #tpu.memory_space<vmem>> -> memref<128x64xf32, #tpu.memory_space<vmem>>
      %dma_wait3A_220 = arith.constant 0 : i32
      %dma_wait3A_221 = arith.constant 0 : i32
      %dma_wait3A_222 = tpu.memref_slice %arg3[%dma_wait3A_220, %dma_wait3A_221] : memref<1000000x64xf32, #tpu.memory_space<hbm>> -> memref<128x64xf32, #tpu.memory_space<hbm>>
      %dma_wait3A_223 = arith.constant 0 : i32
      %dma_wait3A_224 = arith.constant 0 : i32
      %dma_wait3A_225 = tpu.memref_slice %arg6[%dma_wait3A_212, %dma_wait3A_223, %dma_wait3A_224] : memref<4x200x64xf32, #tpu.memory_space<vmem>> -> memref<1x200x64xf32, #tpu.memory_space<vmem>>
      %dma_wait3A_226 = tpu.memref_squeeze %dma_wait3A_225 : memref<1x200x64xf32, #tpu.memory_space<vmem>> -> memref<200x64xf32, #tpu.memory_space<vmem>>
      %dma_wait3A_227 = arith.constant 0 : i32
      %dma_wait3A_228 = arith.constant 0 : i32
      %dma_wait3A_229 = tpu.memref_slice %dma_wait3A_226[%dma_wait3A_227, %dma_wait3A_228] : memref<200x64xf32, #tpu.memory_space<vmem>> -> memref<128x64xf32, #tpu.memory_space<vmem>>
      %dma_wait3A_230 = arith.constant 0 : i32
      %dma_wait3A_231 = arith.constant 0 : i32
      %dma_wait3A_232 = tpu.memref_slice %arg3[%dma_wait3A_230, %dma_wait3A_231] : memref<1000000x64xf32, #tpu.memory_space<hbm>> -> memref<128x64xf32, #tpu.memory_space<hbm>>
      tpu.wait_dma2 semaphore(%arg9 : memref<!tpu.dma_semaphore, #tpu.memory_space<semaphore_mem>>) src(%dma_wait3A_232 : memref<128x64xf32, #tpu.memory_space<hbm>>) dst(%dma_wait3A_229 : memref<128x64xf32, #tpu.memory_space<vmem>>)
      %dma_wait3A_233 = arith.constant 1 : i32
      %dma_wait3A_234 = arith.constant 0 : i32
      %dma_wait3A_235 = arith.constant 0 : i32
      %dma_wait3A_236 = tpu.memref_slice %arg6[%dma_wait3A_233, %dma_wait3A_234, %dma_wait3A_235] : memref<4x200x64xf32, #tpu.memory_space<vmem>> -> memref<1x200x64xf32, #tpu.memory_space<vmem>>
      %dma_wait3A_237 = tpu.memref_squeeze %dma_wait3A_236 : memref<1x200x64xf32, #tpu.memory_space<vmem>> -> memref<200x64xf32, #tpu.memory_space<vmem>>
      %dma_wait3A_238 = arith.constant 128 : i32
      %dma_wait3A_239 = arith.constant 0 : i32
      %dma_wait3A_240 = tpu.memref_slice %dma_wait3A_237[%dma_wait3A_238, %dma_wait3A_239] : memref<200x64xf32, #tpu.memory_space<vmem>> -> memref<72x64xf32, #tpu.memory_space<vmem>>
      %dma_wait3A_241 = arith.constant 0 : i32
      %dma_wait3A_242 = arith.constant 0 : i32
      %dma_wait3A_243 = tpu.memref_slice %arg3[%dma_wait3A_241, %dma_wait3A_242] : memref<1000000x64xf32, #tpu.memory_space<hbm>> -> memref<72x64xf32, #tpu.memory_space<hbm>>
      %dma_wait3A_244 = arith.constant 0 : i32
      %dma_wait3A_245 = arith.constant 0 : i32
      %dma_wait3A_246 = tpu.memref_slice %arg6[%dma_wait3A_233, %dma_wait3A_244, %dma_wait3A_245] : memref<4x200x64xf32, #tpu.memory_space<vmem>> -> memref<1x200x64xf32, #tpu.memory_space<vmem>>
      %dma_wait3A_247 = tpu.memref_squeeze %dma_wait3A_246 : memref<1x200x64xf32, #tpu.memory_space<vmem>> -> memref<200x64xf32, #tpu.memory_space<vmem>>
      %dma_wait3A_248 = arith.constant 128 : i32
      %dma_wait3A_249 = arith.constant 0 : i32
      %dma_wait3A_250 = tpu.memref_slice %dma_wait3A_247[%dma_wait3A_248, %dma_wait3A_249] : memref<200x64xf32, #tpu.memory_space<vmem>> -> memref<72x64xf32, #tpu.memory_space<vmem>>
      %dma_wait3A_251 = arith.constant 0 : i32
      %dma_wait3A_252 = arith.constant 0 : i32
      %dma_wait3A_253 = tpu.memref_slice %arg3[%dma_wait3A_251, %dma_wait3A_252] : memref<1000000x64xf32, #tpu.memory_space<hbm>> -> memref<72x64xf32, #tpu.memory_space<hbm>>
      tpu.wait_dma2 semaphore(%arg9 : memref<!tpu.dma_semaphore, #tpu.memory_space<semaphore_mem>>) src(%dma_wait3A_253 : memref<72x64xf32, #tpu.memory_space<hbm>>) dst(%dma_wait3A_250 : memref<72x64xf32, #tpu.memory_space<vmem>>)
      %ge3A_254 = arith.constant 2 : i32
      %ge3A_255 = arith.cmpi sge, %add3A_204, %ge3A_254 : i32
      %convert_element_type3A_256 = arith.extui %ge3A_255 : i1 to i32
      %cond3A_257 = arith.constant 0 : i32
      %cond3A_258 = arith.cmpi ne, %convert_element_type3A_256, %cond3A_257 : i32
      scf.if %cond3A_258 {
        %sub3A = arith.constant 2 : i32
        %sub3A_444 = arith.subi %add3A_204, %sub3A : i32
        %add3A_445 = arith.addi %mul3A_2, %sub3A_444 : i32
        %dma_wait3A_446 = arith.constant 1 : i32
        %dma_wait3A_447 = arith.constant 0 : i32
        %dma_wait3A_448 = arith.constant 0 : i32
        %dma_wait3A_449 = tpu.memref_slice %arg7[%dma_wait3A_446, %dma_wait3A_447, %dma_wait3A_448] : memref<2x64x200xf32, #tpu.memory_space<vmem>> -> memref<1x64x200xf32, #tpu.memory_space<vmem>>
        %dma_wait3A_450 = tpu.memref_squeeze %dma_wait3A_449 : memref<1x64x200xf32, #tpu.memory_space<vmem>> -> memref<64x200xf32, #tpu.memory_space<vmem>>
        %dma_wait3A_451 = arith.constant 0 : i32
        %dma_wait3A_452 = arith.constant 0 : i32
        %dma_wait3A_453 = tpu.memref_slice %arg4[%add3A_445, %dma_wait3A_451, %dma_wait3A_452] : memref<4096x64x200xf32, #tpu.memory_space<hbm>> -> memref<1x64x200xf32, #tpu.memory_space<hbm>>
        %dma_wait3A_454 = tpu.memref_squeeze %dma_wait3A_453 : memref<1x64x200xf32, #tpu.memory_space<hbm>> -> memref<64x200xf32, #tpu.memory_space<hbm>>
        %dma_wait3A_455 = arith.constant 0 : i32
        %dma_wait3A_456 = arith.constant 0 : i32
        %dma_wait3A_457 = tpu.memref_slice %arg4[%add3A_445, %dma_wait3A_455, %dma_wait3A_456] : memref<4096x64x200xf32, #tpu.memory_space<hbm>> -> memref<1x64x200xf32, #tpu.memory_space<hbm>>
        %dma_wait3A_458 = tpu.memref_squeeze %dma_wait3A_457 : memref<1x64x200xf32, #tpu.memory_space<hbm>> -> memref<64x200xf32, #tpu.memory_space<hbm>>
        %dma_wait3A_459 = arith.constant 0 : i32
        %dma_wait3A_460 = arith.constant 0 : i32
        %dma_wait3A_461 = tpu.memref_slice %arg7[%dma_wait3A_446, %dma_wait3A_459, %dma_wait3A_460] : memref<2x64x200xf32, #tpu.memory_space<vmem>> -> memref<1x64x200xf32, #tpu.memory_space<vmem>>
        %dma_wait3A_462 = tpu.memref_squeeze %dma_wait3A_461 : memref<1x64x200xf32, #tpu.memory_space<vmem>> -> memref<64x200xf32, #tpu.memory_space<vmem>>
        tpu.wait_dma2 semaphore(%arg13 : memref<!tpu.dma_semaphore, #tpu.memory_space<semaphore_mem>>) src(%dma_wait3A_462 : memref<64x200xf32, #tpu.memory_space<vmem>>) dst(%dma_wait3A_458 : memref<64x200xf32, #tpu.memory_space<hbm>>)
      } else {
      }
      %parallel_loop3A_259 = arith.constant 0 : i32
      %parallel_loop3A_260 = arith.constant 200 : i32
      %parallel_loop3A_261 = arith.constant 1 : i32
      %parallel_loop3A_262 = arith.constant 1 : i32
      %parallel_loop3A_263 = arith.constant 1 : i32
      scf.for %parallel_loop3A_444 = %parallel_loop3A_259 to %parallel_loop3A_260 step %parallel_loop3A_261  : i32 {
        %parallel_loop3A_445 = vector.broadcast %parallel_loop3A_444 : i32 to vector<16xi32>
        %parallel_loop3A_446 = arith.constant 0 : i32
        %parallel_loop3A_447 = arith.constant 0 : i32
        %parallel_loop3A_448 = tpu.memref_slice %arg6[%parallel_loop3A_262, %parallel_loop3A_446, %parallel_loop3A_447] : memref<4x200x64xf32, #tpu.memory_space<vmem>> -> memref<1x200x64xf32, #tpu.memory_space<vmem>>
        %parallel_loop3A_449 = tpu.memref_squeeze %parallel_loop3A_448 : memref<1x200x64xf32, #tpu.memory_space<vmem>> -> memref<200x64xf32, #tpu.memory_space<vmem>>
        %parallel_loop3A_450 = arith.index_cast %parallel_loop3A_444 : i32 to index
        %parallel_loop3A_451 = arith.constant 0 : index
        %parallel_loop3A_452 = tpu.vector_load %parallel_loop3A_449[%parallel_loop3A_450, %parallel_loop3A_451] {strides = array<i32>} : memref<200x64xf32, #tpu.memory_space<vmem>>, vector<16xf32>,
        %parallel_loop3A_453 = arith.constant 0 : i32
        %parallel_loop3A_454 = vector.broadcast %parallel_loop3A_453 : i32 to vector<16xi32>
        %parallel_loop3A_455 = arith.addi %iota3A, %parallel_loop3A_454 : vector<16xi32>
        %parallel_loop3A_456 = arith.constant 0 : i32
        %parallel_loop3A_457 = arith.constant 0 : i32
        %parallel_loop3A_458 = tpu.memref_slice %arg7[%parallel_loop3A_263, %parallel_loop3A_456, %parallel_loop3A_457] : memref<2x64x200xf32, #tpu.memory_space<vmem>> -> memref<1x64x200xf32, #tpu.memory_space<vmem>>
        %parallel_loop3A_459 = tpu.memref_squeeze %parallel_loop3A_458 : memref<1x64x200xf32, #tpu.memory_space<vmem>> -> memref<64x200xf32, #tpu.memory_space<vmem>>
        tpu.vector_store_idx %parallel_loop3A_459[%parallel_loop3A_455, %parallel_loop3A_445], %parallel_loop3A_452 : memref<64x200xf32, #tpu.memory_space<vmem>>[vector<16xi32>, vector<16xi32>], vector<16xf32>,
        %parallel_loop3A_460 = arith.constant 0 : i32
        %parallel_loop3A_461 = arith.constant 0 : i32
        %parallel_loop3A_462 = tpu.memref_slice %arg6[%parallel_loop3A_262, %parallel_loop3A_460, %parallel_loop3A_461] : memref<4x200x64xf32, #tpu.memory_space<vmem>> -> memref<1x200x64xf32, #tpu.memory_space<vmem>>
        %parallel_loop3A_463 = tpu.memref_squeeze %parallel_loop3A_462 : memref<1x200x64xf32, #tpu.memory_space<vmem>> -> memref<200x64xf32, #tpu.memory_space<vmem>>
        %parallel_loop3A_464 = arith.index_cast %parallel_loop3A_444 : i32 to index
        %parallel_loop3A_465 = arith.constant 16 : index
        %parallel_loop3A_466 = tpu.vector_load %parallel_loop3A_463[%parallel_loop3A_464, %parallel_loop3A_465] {strides = array<i32>} : memref<200x64xf32, #tpu.memory_space<vmem>>, vector<16xf32>,
        %parallel_loop3A_467 = arith.constant 16 : i32
        %parallel_loop3A_468 = vector.broadcast %parallel_loop3A_467 : i32 to vector<16xi32>
        %parallel_loop3A_469 = arith.addi %iota3A, %parallel_loop3A_468 : vector<16xi32>
        %parallel_loop3A_470 = arith.constant 0 : i32
        %parallel_loop3A_471 = arith.constant 0 : i32
        %parallel_loop3A_472 = tpu.memref_slice %arg7[%parallel_loop3A_263, %parallel_loop3A_470, %parallel_loop3A_471] : memref<2x64x200xf32, #tpu.memory_space<vmem>> -> memref<1x64x200xf32, #tpu.memory_space<vmem>>
        %parallel_loop3A_473 = tpu.memref_squeeze %parallel_loop3A_472 : memref<1x64x200xf32, #tpu.memory_space<vmem>> -> memref<64x200xf32, #tpu.memory_space<vmem>>
        tpu.vector_store_idx %parallel_loop3A_473[%parallel_loop3A_469, %parallel_loop3A_445], %parallel_loop3A_466 : memref<64x200xf32, #tpu.memory_space<vmem>>[vector<16xi32>, vector<16xi32>], vector<16xf32>,
        %parallel_loop3A_474 = arith.constant 0 : i32
        %parallel_loop3A_475 = arith.constant 0 : i32
        %parallel_loop3A_476 = tpu.memref_slice %arg6[%parallel_loop3A_262, %parallel_loop3A_474, %parallel_loop3A_475] : memref<4x200x64xf32, #tpu.memory_space<vmem>> -> memref<1x200x64xf32, #tpu.memory_space<vmem>>
        %parallel_loop3A_477 = tpu.memref_squeeze %parallel_loop3A_476 : memref<1x200x64xf32, #tpu.memory_space<vmem>> -> memref<200x64xf32, #tpu.memory_space<vmem>>
        %parallel_loop3A_478 = arith.index_cast %parallel_loop3A_444 : i32 to index
        %parallel_loop3A_479 = arith.constant 32 : index
        %parallel_loop3A_480 = tpu.vector_load %parallel_loop3A_477[%parallel_loop3A_478, %parallel_loop3A_479] {strides = array<i32>} : memref<200x64xf32, #tpu.memory_space<vmem>>, vector<16xf32>,
        %parallel_loop3A_481 = arith.constant 32 : i32
        %parallel_loop3A_482 = vector.broadcast %parallel_loop3A_481 : i32 to vector<16xi32>
        %parallel_loop3A_483 = arith.addi %iota3A, %parallel_loop3A_482 : vector<16xi32>
        %parallel_loop3A_484 = arith.constant 0 : i32
        %parallel_loop3A_485 = arith.constant 0 : i32
        %parallel_loop3A_486 = tpu.memref_slice %arg7[%parallel_loop3A_263, %parallel_loop3A_484, %parallel_loop3A_485] : memref<2x64x200xf32, #tpu.memory_space<vmem>> -> memref<1x64x200xf32, #tpu.memory_space<vmem>>
        %parallel_loop3A_487 = tpu.memref_squeeze %parallel_loop3A_486 : memref<1x64x200xf32, #tpu.memory_space<vmem>> -> memref<64x200xf32, #tpu.memory_space<vmem>>
        tpu.vector_store_idx %parallel_loop3A_487[%parallel_loop3A_483, %parallel_loop3A_445], %parallel_loop3A_480 : memref<64x200xf32, #tpu.memory_space<vmem>>[vector<16xi32>, vector<16xi32>], vector<16xf32>,
        %parallel_loop3A_488 = arith.constant 0 : i32
        %parallel_loop3A_489 = arith.constant 0 : i32
        %parallel_loop3A_490 = tpu.memref_slice %arg6[%parallel_loop3A_262, %parallel_loop3A_488, %parallel_loop3A_489] : memref<4x200x64xf32, #tpu.memory_space<vmem>> -> memref<1x200x64xf32, #tpu.memory_space<vmem>>
        %parallel_loop3A_491 = tpu.memref_squeeze %parallel_loop3A_490 : memref<1x200x64xf32, #tpu.memory_space<vmem>> -> memref<200x64xf32, #tpu.memory_space<vmem>>
        %parallel_loop3A_492 = arith.index_cast %parallel_loop3A_444 : i32 to index
        %parallel_loop3A_493 = arith.constant 48 : index
        %parallel_loop3A_494 = tpu.vector_load %parallel_loop3A_491[%parallel_loop3A_492, %parallel_loop3A_493] {strides = array<i32>} : memref<200x64xf32, #tpu.memory_space<vmem>>, vector<16xf32>,
        %parallel_loop3A_495 = arith.constant 48 : i32
        %parallel_loop3A_496 = vector.broadcast %parallel_loop3A_495 : i32 to vector<16xi32>
        %parallel_loop3A_497 = arith.addi %iota3A, %parallel_loop3A_496 : vector<16xi32>
        %parallel_loop3A_498 = arith.constant 0 : i32
        %parallel_loop3A_499 = arith.constant 0 : i32
        %parallel_loop3A_500 = tpu.memref_slice %arg7[%parallel_loop3A_263, %parallel_loop3A_498, %parallel_loop3A_499] : memref<2x64x200xf32, #tpu.memory_space<vmem>> -> memref<1x64x200xf32, #tpu.memory_space<vmem>>
        %parallel_loop3A_501 = tpu.memref_squeeze %parallel_loop3A_500 : memref<1x64x200xf32, #tpu.memory_space<vmem>> -> memref<64x200xf32, #tpu.memory_space<vmem>>
        tpu.vector_store_idx %parallel_loop3A_501[%parallel_loop3A_497, %parallel_loop3A_445], %parallel_loop3A_494 : memref<64x200xf32, #tpu.memory_space<vmem>>[vector<16xi32>, vector<16xi32>], vector<16xf32>,
      } {sc.loop_unroll_factor = 4 : i64, sc.parallel_access}
      %add3A_264 = arith.addi %mul3A_2, %add3A_204 : i32
      %dma_start3A_265 = arith.constant 1 : i32
      %dma_start3A_266 = arith.constant 0 : i32
      %dma_start3A_267 = arith.constant 0 : i32
      %dma_start3A_268 = tpu.memref_slice %arg7[%dma_start3A_265, %dma_start3A_266, %dma_start3A_267] : memref<2x64x200xf32, #tpu.memory_space<vmem>> -> memref<1x64x200xf32, #tpu.memory_space<vmem>>
      %dma_start3A_269 = tpu.memref_squeeze %dma_start3A_268 : memref<1x64x200xf32, #tpu.memory_space<vmem>> -> memref<64x200xf32, #tpu.memory_space<vmem>>
      %dma_start3A_270 = arith.constant 0 : i32
      %dma_start3A_271 = arith.constant 0 : i32
      %dma_start3A_272 = tpu.memref_slice %arg4[%add3A_264, %dma_start3A_270, %dma_start3A_271] : memref<4096x64x200xf32, #tpu.memory_space<hbm>> -> memref<1x64x200xf32, #tpu.memory_space<hbm>>
      %dma_start3A_273 = tpu.memref_squeeze %dma_start3A_272 : memref<1x64x200xf32, #tpu.memory_space<hbm>> -> memref<64x200xf32, #tpu.memory_space<hbm>>
      %dma_start3A_274 = arith.constant 0 : i32
      %dma_start3A_275 = arith.constant 0 : i32
      %dma_start3A_276 = tpu.memref_slice %arg4[%add3A_264, %dma_start3A_274, %dma_start3A_275] : memref<4096x64x200xf32, #tpu.memory_space<hbm>> -> memref<1x64x200xf32, #tpu.memory_space<hbm>>
      %dma_start3A_277 = tpu.memref_squeeze %dma_start3A_276 : memref<1x64x200xf32, #tpu.memory_space<hbm>> -> memref<64x200xf32, #tpu.memory_space<hbm>>
      %dma_start3A_278 = arith.constant 0 : i32
      %dma_start3A_279 = arith.constant 0 : i32
      %dma_start3A_280 = tpu.memref_slice %arg7[%dma_start3A_265, %dma_start3A_278, %dma_start3A_279] : memref<2x64x200xf32, #tpu.memory_space<vmem>> -> memref<1x64x200xf32, #tpu.memory_space<vmem>>
      %dma_start3A_281 = tpu.memref_squeeze %dma_start3A_280 : memref<1x64x200xf32, #tpu.memory_space<vmem>> -> memref<64x200xf32, #tpu.memory_space<vmem>>
      tpu.enqueue_dma source(%dma_start3A_281 : memref<64x200xf32, #tpu.memory_space<vmem>>) target(%dma_start3A_277 : memref<64x200xf32, #tpu.memory_space<hbm>>) target_semaphore(%arg13 : memref<!tpu.dma_semaphore, #tpu.memory_space<semaphore_mem>>)
      %mul3A_282 = arith.constant 4 : i32
      %mul3A_283 = arith.muli %mul3A_282, %scan3A_124 : i32
      %add3A_284 = arith.constant 2 : i32
      %add3A_285 = arith.addi %mul3A_283, %add3A_284 : i32
      %add3A_286 = arith.constant 3 : i32
      %add3A_287 = arith.addi %add3A_285, %add3A_286 : i32
      %lt3A_288 = arith.constant 128 : i32
      %lt3A_289 = arith.cmpi slt, %add3A_287, %lt3A_288 : i32
      %convert_element_type3A_290 = arith.extui %lt3A_289 : i1 to i32
      %cond3A_291 = arith.constant 0 : i32
      %cond3A_292 = arith.cmpi ne, %convert_element_type3A_290, %cond3A_291 : i32
      scf.if %cond3A_292 {
        %add3A_444 = arith.constant 3 : i32
        %add3A_445 = arith.addi %add3A_285, %add3A_444 : i32
        %mul3A_446 = arith.constant 200 : i32
        %mul3A_447 = arith.muli %add3A_445, %mul3A_446 : i32
        %add3A_448 = arith.constant 0 : i32
        %add3A_449 = arith.addi %mul3A_447, %add3A_448 : i32
        %dma_start3A_450 = arith.constant 1 : i32
        %dma_start3A_451 = arith.constant 0 : i32
        %dma_start3A_452 = arith.constant 0 : i32
        %dma_start3A_453 = tpu.memref_slice %arg6[%dma_start3A_450, %dma_start3A_451, %dma_start3A_452] : memref<4x200x64xf32, #tpu.memory_space<vmem>> -> memref<1x200x64xf32, #tpu.memory_space<vmem>>
        %dma_start3A_454 = tpu.memref_squeeze %dma_start3A_453 : memref<1x200x64xf32, #tpu.memory_space<vmem>> -> memref<200x64xf32, #tpu.memory_space<vmem>>
        %dma_start3A_455 = arith.constant 0 : i32
        %dma_start3A_456 = arith.constant 0 : i32
        %dma_start3A_457 = tpu.memref_slice %dma_start3A_454[%dma_start3A_455, %dma_start3A_456] : memref<200x64xf32, #tpu.memory_space<vmem>> -> memref<128x64xf32, #tpu.memory_space<vmem>>
        %dma_start3A_458 = tpu.memref_slice %arg5[%add3A_449] : memref<25600xi32, #tpu.memory_space<vmem>> -> memref<128xi32, #tpu.memory_space<vmem>>
        %dma_start3A_459 = arith.constant 0 : i32
        %dma_start3A_460 = arith.constant 0 : i32
        %dma_start3A_461 = tpu.memref_slice %arg3[%dma_start3A_459, %dma_start3A_460] : memref<1000000x64xf32, #tpu.memory_space<hbm>> -> memref<1000000x64xf32, #tpu.memory_space<hbm>>
        tpu.enqueue_indirect_dma source(%dma_start3A_461 : memref<1000000x64xf32, #tpu.memory_space<hbm>>) target(%dma_start3A_457 : memref<128x64xf32, #tpu.memory_space<vmem>>) offsets(%dma_start3A_458 : memref<128xi32, #tpu.memory_space<vmem>>) semaphore(%arg9 : memref<!tpu.dma_semaphore, #tpu.memory_space<semaphore_mem>>)
        %add3A_462 = arith.constant 128 : i32
        %add3A_463 = arith.addi %mul3A_447, %add3A_462 : i32
        %dma_start3A_464 = arith.constant 1 : i32
        %dma_start3A_465 = arith.constant 0 : i32
        %dma_start3A_466 = arith.constant 0 : i32
        %dma_start3A_467 = tpu.memref_slice %arg6[%dma_start3A_464, %dma_start3A_465, %dma_start3A_466] : memref<4x200x64xf32, #tpu.memory_space<vmem>> -> memref<1x200x64xf32, #tpu.memory_space<vmem>>
        %dma_start3A_468 = tpu.memref_squeeze %dma_start3A_467 : memref<1x200x64xf32, #tpu.memory_space<vmem>> -> memref<200x64xf32, #tpu.memory_space<vmem>>
        %dma_start3A_469 = arith.constant 128 : i32
        %dma_start3A_470 = arith.constant 0 : i32
        %dma_start3A_471 = tpu.memref_slice %dma_start3A_468[%dma_start3A_469, %dma_start3A_470] : memref<200x64xf32, #tpu.memory_space<vmem>> -> memref<72x64xf32, #tpu.memory_space<vmem>>
        %dma_start3A_472 = tpu.memref_slice %arg5[%add3A_463] : memref<25600xi32, #tpu.memory_space<vmem>> -> memref<72xi32, #tpu.memory_space<vmem>>
        %dma_start3A_473 = arith.constant 0 : i32
        %dma_start3A_474 = arith.constant 0 : i32
        %dma_start3A_475 = tpu.memref_slice %arg3[%dma_start3A_473, %dma_start3A_474] : memref<1000000x64xf32, #tpu.memory_space<hbm>> -> memref<1000000x64xf32, #tpu.memory_space<hbm>>
        tpu.enqueue_indirect_dma source(%dma_start3A_475 : memref<1000000x64xf32, #tpu.memory_space<hbm>>) target(%dma_start3A_471 : memref<72x64xf32, #tpu.memory_space<vmem>>) offsets(%dma_start3A_472 : memref<72xi32, #tpu.memory_space<vmem>>) semaphore(%arg9 : memref<!tpu.dma_semaphore, #tpu.memory_space<semaphore_mem>>)
      } else {
      }
      %dma_wait3A_293 = arith.constant 2 : i32
      %dma_wait3A_294 = arith.constant 0 : i32
      %dma_wait3A_295 = arith.constant 0 : i32
      %dma_wait3A_296 = tpu.memref_slice %arg6[%dma_wait3A_293, %dma_wait3A_294, %dma_wait3A_295] : memref<4x200x64xf32, #tpu.memory_space<vmem>> -> memref<1x200x64xf32, #tpu.memory_space<vmem>>
      %dma_wait3A_297 = tpu.memref_squeeze %dma_wait3A_296 : memref<1x200x64xf32, #tpu.memory_space<vmem>> -> memref<200x64xf32, #tpu.memory_space<vmem>>
      %dma_wait3A_298 = arith.constant 0 : i32
      %dma_wait3A_299 = arith.constant 0 : i32
      %dma_wait3A_300 = tpu.memref_slice %dma_wait3A_297[%dma_wait3A_298, %dma_wait3A_299] : memref<200x64xf32, #tpu.memory_space<vmem>> -> memref<128x64xf32, #tpu.memory_space<vmem>>
      %dma_wait3A_301 = arith.constant 0 : i32
      %dma_wait3A_302 = arith.constant 0 : i32
      %dma_wait3A_303 = tpu.memref_slice %arg3[%dma_wait3A_301, %dma_wait3A_302] : memref<1000000x64xf32, #tpu.memory_space<hbm>> -> memref<128x64xf32, #tpu.memory_space<hbm>>
      %dma_wait3A_304 = arith.constant 0 : i32
      %dma_wait3A_305 = arith.constant 0 : i32
      %dma_wait3A_306 = tpu.memref_slice %arg6[%dma_wait3A_293, %dma_wait3A_304, %dma_wait3A_305] : memref<4x200x64xf32, #tpu.memory_space<vmem>> -> memref<1x200x64xf32, #tpu.memory_space<vmem>>
      %dma_wait3A_307 = tpu.memref_squeeze %dma_wait3A_306 : memref<1x200x64xf32, #tpu.memory_space<vmem>> -> memref<200x64xf32, #tpu.memory_space<vmem>>
      %dma_wait3A_308 = arith.constant 0 : i32
      %dma_wait3A_309 = arith.constant 0 : i32
      %dma_wait3A_310 = tpu.memref_slice %dma_wait3A_307[%dma_wait3A_308, %dma_wait3A_309] : memref<200x64xf32, #tpu.memory_space<vmem>> -> memref<128x64xf32, #tpu.memory_space<vmem>>
      %dma_wait3A_311 = arith.constant 0 : i32
      %dma_wait3A_312 = arith.constant 0 : i32
      %dma_wait3A_313 = tpu.memref_slice %arg3[%dma_wait3A_311, %dma_wait3A_312] : memref<1000000x64xf32, #tpu.memory_space<hbm>> -> memref<128x64xf32, #tpu.memory_space<hbm>>
      tpu.wait_dma2 semaphore(%arg10 : memref<!tpu.dma_semaphore, #tpu.memory_space<semaphore_mem>>) src(%dma_wait3A_313 : memref<128x64xf32, #tpu.memory_space<hbm>>) dst(%dma_wait3A_310 : memref<128x64xf32, #tpu.memory_space<vmem>>)
      %dma_wait3A_314 = arith.constant 2 : i32
      %dma_wait3A_315 = arith.constant 0 : i32
      %dma_wait3A_316 = arith.constant 0 : i32
      %dma_wait3A_317 = tpu.memref_slice %arg6[%dma_wait3A_314, %dma_wait3A_315, %dma_wait3A_316] : memref<4x200x64xf32, #tpu.memory_space<vmem>> -> memref<1x200x64xf32, #tpu.memory_space<vmem>>
      %dma_wait3A_318 = tpu.memref_squeeze %dma_wait3A_317 : memref<1x200x64xf32, #tpu.memory_space<vmem>> -> memref<200x64xf32, #tpu.memory_space<vmem>>
      %dma_wait3A_319 = arith.constant 128 : i32
      %dma_wait3A_320 = arith.constant 0 : i32
      %dma_wait3A_321 = tpu.memref_slice %dma_wait3A_318[%dma_wait3A_319, %dma_wait3A_320] : memref<200x64xf32, #tpu.memory_space<vmem>> -> memref<72x64xf32, #tpu.memory_space<vmem>>
      %dma_wait3A_322 = arith.constant 0 : i32
      %dma_wait3A_323 = arith.constant 0 : i32
      %dma_wait3A_324 = tpu.memref_slice %arg3[%dma_wait3A_322, %dma_wait3A_323] : memref<1000000x64xf32, #tpu.memory_space<hbm>> -> memref<72x64xf32, #tpu.memory_space<hbm>>
      %dma_wait3A_325 = arith.constant 0 : i32
      %dma_wait3A_326 = arith.constant 0 : i32
      %dma_wait3A_327 = tpu.memref_slice %arg6[%dma_wait3A_314, %dma_wait3A_325, %dma_wait3A_326] : memref<4x200x64xf32, #tpu.memory_space<vmem>> -> memref<1x200x64xf32, #tpu.memory_space<vmem>>
      %dma_wait3A_328 = tpu.memref_squeeze %dma_wait3A_327 : memref<1x200x64xf32, #tpu.memory_space<vmem>> -> memref<200x64xf32, #tpu.memory_space<vmem>>
      %dma_wait3A_329 = arith.constant 128 : i32
      %dma_wait3A_330 = arith.constant 0 : i32
      %dma_wait3A_331 = tpu.memref_slice %dma_wait3A_328[%dma_wait3A_329, %dma_wait3A_330] : memref<200x64xf32, #tpu.memory_space<vmem>> -> memref<72x64xf32, #tpu.memory_space<vmem>>
      %dma_wait3A_332 = arith.constant 0 : i32
      %dma_wait3A_333 = arith.constant 0 : i32
      %dma_wait3A_334 = tpu.memref_slice %arg3[%dma_wait3A_332, %dma_wait3A_333] : memref<1000000x64xf32, #tpu.memory_space<hbm>> -> memref<72x64xf32, #tpu.memory_space<hbm>>
      tpu.wait_dma2 semaphore(%arg10 : memref<!tpu.dma_semaphore, #tpu.memory_space<semaphore_mem>>) src(%dma_wait3A_334 : memref<72x64xf32, #tpu.memory_space<hbm>>) dst(%dma_wait3A_331 : memref<72x64xf32, #tpu.memory_space<vmem>>)
      %ge3A_335 = arith.constant 2 : i32
      %ge3A_336 = arith.cmpi sge, %add3A_285, %ge3A_335 : i32
      %convert_element_type3A_337 = arith.extui %ge3A_336 : i1 to i32
      %cond3A_338 = arith.constant 0 : i32
      %cond3A_339 = arith.cmpi ne, %convert_element_type3A_337, %cond3A_338 : i32
      scf.if %cond3A_339 {
        %sub3A = arith.constant 2 : i32
        %sub3A_444 = arith.subi %add3A_285, %sub3A : i32
        %add3A_445 = arith.addi %mul3A_2, %sub3A_444 : i32
        %dma_wait3A_446 = arith.constant 0 : i32
        %dma_wait3A_447 = arith.constant 0 : i32
        %dma_wait3A_448 = arith.constant 0 : i32
        %dma_wait3A_449 = tpu.memref_slice %arg7[%dma_wait3A_446, %dma_wait3A_447, %dma_wait3A_448] : memref<2x64x200xf32, #tpu.memory_space<vmem>> -> memref<1x64x200xf32, #tpu.memory_space<vmem>>
        %dma_wait3A_450 = tpu.memref_squeeze %dma_wait3A_449 : memref<1x64x200xf32, #tpu.memory_space<vmem>> -> memref<64x200xf32, #tpu.memory_space<vmem>>
        %dma_wait3A_451 = arith.constant 0 : i32
        %dma_wait3A_452 = arith.constant 0 : i32
        %dma_wait3A_453 = tpu.memref_slice %arg4[%add3A_445, %dma_wait3A_451, %dma_wait3A_452] : memref<4096x64x200xf32, #tpu.memory_space<hbm>> -> memref<1x64x200xf32, #tpu.memory_space<hbm>>
        %dma_wait3A_454 = tpu.memref_squeeze %dma_wait3A_453 : memref<1x64x200xf32, #tpu.memory_space<hbm>> -> memref<64x200xf32, #tpu.memory_space<hbm>>
        %dma_wait3A_455 = arith.constant 0 : i32
        %dma_wait3A_456 = arith.constant 0 : i32
        %dma_wait3A_457 = tpu.memref_slice %arg4[%add3A_445, %dma_wait3A_455, %dma_wait3A_456] : memref<4096x64x200xf32, #tpu.memory_space<hbm>> -> memref<1x64x200xf32, #tpu.memory_space<hbm>>
        %dma_wait3A_458 = tpu.memref_squeeze %dma_wait3A_457 : memref<1x64x200xf32, #tpu.memory_space<hbm>> -> memref<64x200xf32, #tpu.memory_space<hbm>>
        %dma_wait3A_459 = arith.constant 0 : i32
        %dma_wait3A_460 = arith.constant 0 : i32
        %dma_wait3A_461 = tpu.memref_slice %arg7[%dma_wait3A_446, %dma_wait3A_459, %dma_wait3A_460] : memref<2x64x200xf32, #tpu.memory_space<vmem>> -> memref<1x64x200xf32, #tpu.memory_space<vmem>>
        %dma_wait3A_462 = tpu.memref_squeeze %dma_wait3A_461 : memref<1x64x200xf32, #tpu.memory_space<vmem>> -> memref<64x200xf32, #tpu.memory_space<vmem>>
        tpu.wait_dma2 semaphore(%arg12 : memref<!tpu.dma_semaphore, #tpu.memory_space<semaphore_mem>>) src(%dma_wait3A_462 : memref<64x200xf32, #tpu.memory_space<vmem>>) dst(%dma_wait3A_458 : memref<64x200xf32, #tpu.memory_space<hbm>>)
      } else {
      }
      %parallel_loop3A_340 = arith.constant 0 : i32
      %parallel_loop3A_341 = arith.constant 200 : i32
      %parallel_loop3A_342 = arith.constant 1 : i32
      %parallel_loop3A_343 = arith.constant 2 : i32
      %parallel_loop3A_344 = arith.constant 0 : i32
      scf.for %parallel_loop3A_444 = %parallel_loop3A_340 to %parallel_loop3A_341 step %parallel_loop3A_342  : i32 {
        %parallel_loop3A_445 = vector.broadcast %parallel_loop3A_444 : i32 to vector<16xi32>
        %parallel_loop3A_446 = arith.constant 0 : i32
        %parallel_loop3A_447 = arith.constant 0 : i32
        %parallel_loop3A_448 = tpu.memref_slice %arg6[%parallel_loop3A_343, %parallel_loop3A_446, %parallel_loop3A_447] : memref<4x200x64xf32, #tpu.memory_space<vmem>> -> memref<1x200x64xf32, #tpu.memory_space<vmem>>
        %parallel_loop3A_449 = tpu.memref_squeeze %parallel_loop3A_448 : memref<1x200x64xf32, #tpu.memory_space<vmem>> -> memref<200x64xf32, #tpu.memory_space<vmem>>
        %parallel_loop3A_450 = arith.index_cast %parallel_loop3A_444 : i32 to index
        %parallel_loop3A_451 = arith.constant 0 : index
        %parallel_loop3A_452 = tpu.vector_load %parallel_loop3A_449[%parallel_loop3A_450, %parallel_loop3A_451] {strides = array<i32>} : memref<200x64xf32, #tpu.memory_space<vmem>>, vector<16xf32>,
        %parallel_loop3A_453 = arith.constant 0 : i32
        %parallel_loop3A_454 = vector.broadcast %parallel_loop3A_453 : i32 to vector<16xi32>
        %parallel_loop3A_455 = arith.addi %iota3A, %parallel_loop3A_454 : vector<16xi32>
        %parallel_loop3A_456 = arith.constant 0 : i32
        %parallel_loop3A_457 = arith.constant 0 : i32
        %parallel_loop3A_458 = tpu.memref_slice %arg7[%parallel_loop3A_344, %parallel_loop3A_456, %parallel_loop3A_457] : memref<2x64x200xf32, #tpu.memory_space<vmem>> -> memref<1x64x200xf32, #tpu.memory_space<vmem>>
        %parallel_loop3A_459 = tpu.memref_squeeze %parallel_loop3A_458 : memref<1x64x200xf32, #tpu.memory_space<vmem>> -> memref<64x200xf32, #tpu.memory_space<vmem>>
        tpu.vector_store_idx %parallel_loop3A_459[%parallel_loop3A_455, %parallel_loop3A_445], %parallel_loop3A_452 : memref<64x200xf32, #tpu.memory_space<vmem>>[vector<16xi32>, vector<16xi32>], vector<16xf32>,
        %parallel_loop3A_460 = arith.constant 0 : i32
        %parallel_loop3A_461 = arith.constant 0 : i32
        %parallel_loop3A_462 = tpu.memref_slice %arg6[%parallel_loop3A_343, %parallel_loop3A_460, %parallel_loop3A_461] : memref<4x200x64xf32, #tpu.memory_space<vmem>> -> memref<1x200x64xf32, #tpu.memory_space<vmem>>
        %parallel_loop3A_463 = tpu.memref_squeeze %parallel_loop3A_462 : memref<1x200x64xf32, #tpu.memory_space<vmem>> -> memref<200x64xf32, #tpu.memory_space<vmem>>
        %parallel_loop3A_464 = arith.index_cast %parallel_loop3A_444 : i32 to index
        %parallel_loop3A_465 = arith.constant 16 : index
        %parallel_loop3A_466 = tpu.vector_load %parallel_loop3A_463[%parallel_loop3A_464, %parallel_loop3A_465] {strides = array<i32>} : memref<200x64xf32, #tpu.memory_space<vmem>>, vector<16xf32>,
        %parallel_loop3A_467 = arith.constant 16 : i32
        %parallel_loop3A_468 = vector.broadcast %parallel_loop3A_467 : i32 to vector<16xi32>
        %parallel_loop3A_469 = arith.addi %iota3A, %parallel_loop3A_468 : vector<16xi32>
        %parallel_loop3A_470 = arith.constant 0 : i32
        %parallel_loop3A_471 = arith.constant 0 : i32
        %parallel_loop3A_472 = tpu.memref_slice %arg7[%parallel_loop3A_344, %parallel_loop3A_470, %parallel_loop3A_471] : memref<2x64x200xf32, #tpu.memory_space<vmem>> -> memref<1x64x200xf32, #tpu.memory_space<vmem>>
        %parallel_loop3A_473 = tpu.memref_squeeze %parallel_loop3A_472 : memref<1x64x200xf32, #tpu.memory_space<vmem>> -> memref<64x200xf32, #tpu.memory_space<vmem>>
        tpu.vector_store_idx %parallel_loop3A_473[%parallel_loop3A_469, %parallel_loop3A_445], %parallel_loop3A_466 : memref<64x200xf32, #tpu.memory_space<vmem>>[vector<16xi32>, vector<16xi32>], vector<16xf32>,
        %parallel_loop3A_474 = arith.constant 0 : i32
        %parallel_loop3A_475 = arith.constant 0 : i32
        %parallel_loop3A_476 = tpu.memref_slice %arg6[%parallel_loop3A_343, %parallel_loop3A_474, %parallel_loop3A_475] : memref<4x200x64xf32, #tpu.memory_space<vmem>> -> memref<1x200x64xf32, #tpu.memory_space<vmem>>
        %parallel_loop3A_477 = tpu.memref_squeeze %parallel_loop3A_476 : memref<1x200x64xf32, #tpu.memory_space<vmem>> -> memref<200x64xf32, #tpu.memory_space<vmem>>
        %parallel_loop3A_478 = arith.index_cast %parallel_loop3A_444 : i32 to index
        %parallel_loop3A_479 = arith.constant 32 : index
        %parallel_loop3A_480 = tpu.vector_load %parallel_loop3A_477[%parallel_loop3A_478, %parallel_loop3A_479] {strides = array<i32>} : memref<200x64xf32, #tpu.memory_space<vmem>>, vector<16xf32>,
        %parallel_loop3A_481 = arith.constant 32 : i32
        %parallel_loop3A_482 = vector.broadcast %parallel_loop3A_481 : i32 to vector<16xi32>
        %parallel_loop3A_483 = arith.addi %iota3A, %parallel_loop3A_482 : vector<16xi32>
        %parallel_loop3A_484 = arith.constant 0 : i32
        %parallel_loop3A_485 = arith.constant 0 : i32
        %parallel_loop3A_486 = tpu.memref_slice %arg7[%parallel_loop3A_344, %parallel_loop3A_484, %parallel_loop3A_485] : memref<2x64x200xf32, #tpu.memory_space<vmem>> -> memref<1x64x200xf32, #tpu.memory_space<vmem>>
        %parallel_loop3A_487 = tpu.memref_squeeze %parallel_loop3A_486 : memref<1x64x200xf32, #tpu.memory_space<vmem>> -> memref<64x200xf32, #tpu.memory_space<vmem>>
        tpu.vector_store_idx %parallel_loop3A_487[%parallel_loop3A_483, %parallel_loop3A_445], %parallel_loop3A_480 : memref<64x200xf32, #tpu.memory_space<vmem>>[vector<16xi32>, vector<16xi32>], vector<16xf32>,
        %parallel_loop3A_488 = arith.constant 0 : i32
        %parallel_loop3A_489 = arith.constant 0 : i32
        %parallel_loop3A_490 = tpu.memref_slice %arg6[%parallel_loop3A_343, %parallel_loop3A_488, %parallel_loop3A_489] : memref<4x200x64xf32, #tpu.memory_space<vmem>> -> memref<1x200x64xf32, #tpu.memory_space<vmem>>
        %parallel_loop3A_491 = tpu.memref_squeeze %parallel_loop3A_490 : memref<1x200x64xf32, #tpu.memory_space<vmem>> -> memref<200x64xf32, #tpu.memory_space<vmem>>
        %parallel_loop3A_492 = arith.index_cast %parallel_loop3A_444 : i32 to index
        %parallel_loop3A_493 = arith.constant 48 : index
        %parallel_loop3A_494 = tpu.vector_load %parallel_loop3A_491[%parallel_loop3A_492, %parallel_loop3A_493] {strides = array<i32>} : memref<200x64xf32, #tpu.memory_space<vmem>>, vector<16xf32>,
        %parallel_loop3A_495 = arith.constant 48 : i32
        %parallel_loop3A_496 = vector.broadcast %parallel_loop3A_495 : i32 to vector<16xi32>
        %parallel_loop3A_497 = arith.addi %iota3A, %parallel_loop3A_496 : vector<16xi32>
        %parallel_loop3A_498 = arith.constant 0 : i32
        %parallel_loop3A_499 = arith.constant 0 : i32
        %parallel_loop3A_500 = tpu.memref_slice %arg7[%parallel_loop3A_344, %parallel_loop3A_498, %parallel_loop3A_499] : memref<2x64x200xf32, #tpu.memory_space<vmem>> -> memref<1x64x200xf32, #tpu.memory_space<vmem>>
        %parallel_loop3A_501 = tpu.memref_squeeze %parallel_loop3A_500 : memref<1x64x200xf32, #tpu.memory_space<vmem>> -> memref<64x200xf32, #tpu.memory_space<vmem>>
        tpu.vector_store_idx %parallel_loop3A_501[%parallel_loop3A_497, %parallel_loop3A_445], %parallel_loop3A_494 : memref<64x200xf32, #tpu.memory_space<vmem>>[vector<16xi32>, vector<16xi32>], vector<16xf32>,
      } {sc.loop_unroll_factor = 4 : i64, sc.parallel_access}
      %add3A_345 = arith.addi %mul3A_2, %add3A_285 : i32
      %dma_start3A_346 = arith.constant 0 : i32
      %dma_start3A_347 = arith.constant 0 : i32
      %dma_start3A_348 = arith.constant 0 : i32
      %dma_start3A_349 = tpu.memref_slice %arg7[%dma_start3A_346, %dma_start3A_347, %dma_start3A_348] : memref<2x64x200xf32, #tpu.memory_space<vmem>> -> memref<1x64x200xf32, #tpu.memory_space<vmem>>
      %dma_start3A_350 = tpu.memref_squeeze %dma_start3A_349 : memref<1x64x200xf32, #tpu.memory_space<vmem>> -> memref<64x200xf32, #tpu.memory_space<vmem>>
      %dma_start3A_351 = arith.constant 0 : i32
      %dma_start3A_352 = arith.constant 0 : i32
      %dma_start3A_353 = tpu.memref_slice %arg4[%add3A_345, %dma_start3A_351, %dma_start3A_352] : memref<4096x64x200xf32, #tpu.memory_space<hbm>> -> memref<1x64x200xf32, #tpu.memory_space<hbm>>
      %dma_start3A_354 = tpu.memref_squeeze %dma_start3A_353 : memref<1x64x200xf32, #tpu.memory_space<hbm>> -> memref<64x200xf32, #tpu.memory_space<hbm>>
      %dma_start3A_355 = arith.constant 0 : i32
      %dma_start3A_356 = arith.constant 0 : i32
      %dma_start3A_357 = tpu.memref_slice %arg4[%add3A_345, %dma_start3A_355, %dma_start3A_356] : memref<4096x64x200xf32, #tpu.memory_space<hbm>> -> memref<1x64x200xf32, #tpu.memory_space<hbm>>
      %dma_start3A_358 = tpu.memref_squeeze %dma_start3A_357 : memref<1x64x200xf32, #tpu.memory_space<hbm>> -> memref<64x200xf32, #tpu.memory_space<hbm>>
      %dma_start3A_359 = arith.constant 0 : i32
      %dma_start3A_360 = arith.constant 0 : i32
      %dma_start3A_361 = tpu.memref_slice %arg7[%dma_start3A_346, %dma_start3A_359, %dma_start3A_360] : memref<2x64x200xf32, #tpu.memory_space<vmem>> -> memref<1x64x200xf32, #tpu.memory_space<vmem>>
      %dma_start3A_362 = tpu.memref_squeeze %dma_start3A_361 : memref<1x64x200xf32, #tpu.memory_space<vmem>> -> memref<64x200xf32, #tpu.memory_space<vmem>>
      tpu.enqueue_dma source(%dma_start3A_362 : memref<64x200xf32, #tpu.memory_space<vmem>>) target(%dma_start3A_358 : memref<64x200xf32, #tpu.memory_space<hbm>>) target_semaphore(%arg12 : memref<!tpu.dma_semaphore, #tpu.memory_space<semaphore_mem>>)
      %mul3A_363 = arith.constant 4 : i32
      %mul3A_364 = arith.muli %mul3A_363, %scan3A_124 : i32
      %add3A_365 = arith.constant 3 : i32
      %add3A_366 = arith.addi %mul3A_364, %add3A_365 : i32
      %add3A_367 = arith.constant 3 : i32
      %add3A_368 = arith.addi %add3A_366, %add3A_367 : i32
      %lt3A_369 = arith.constant 128 : i32
      %lt3A_370 = arith.cmpi slt, %add3A_368, %lt3A_369 : i32
      %convert_element_type3A_371 = arith.extui %lt3A_370 : i1 to i32
      %cond3A_372 = arith.constant 0 : i32
      %cond3A_373 = arith.cmpi ne, %convert_element_type3A_371, %cond3A_372 : i32
      scf.if %cond3A_373 {
        %add3A_444 = arith.constant 3 : i32
        %add3A_445 = arith.addi %add3A_366, %add3A_444 : i32
        %mul3A_446 = arith.constant 200 : i32
        %mul3A_447 = arith.muli %add3A_445, %mul3A_446 : i32
        %add3A_448 = arith.constant 0 : i32
        %add3A_449 = arith.addi %mul3A_447, %add3A_448 : i32
        %dma_start3A_450 = arith.constant 2 : i32
        %dma_start3A_451 = arith.constant 0 : i32
        %dma_start3A_452 = arith.constant 0 : i32
        %dma_start3A_453 = tpu.memref_slice %arg6[%dma_start3A_450, %dma_start3A_451, %dma_start3A_452] : memref<4x200x64xf32, #tpu.memory_space<vmem>> -> memref<1x200x64xf32, #tpu.memory_space<vmem>>
        %dma_start3A_454 = tpu.memref_squeeze %dma_start3A_453 : memref<1x200x64xf32, #tpu.memory_space<vmem>> -> memref<200x64xf32, #tpu.memory_space<vmem>>
        %dma_start3A_455 = arith.constant 0 : i32
        %dma_start3A_456 = arith.constant 0 : i32
        %dma_start3A_457 = tpu.memref_slice %dma_start3A_454[%dma_start3A_455, %dma_start3A_456] : memref<200x64xf32, #tpu.memory_space<vmem>> -> memref<128x64xf32, #tpu.memory_space<vmem>>
        %dma_start3A_458 = tpu.memref_slice %arg5[%add3A_449] : memref<25600xi32, #tpu.memory_space<vmem>> -> memref<128xi32, #tpu.memory_space<vmem>>
        %dma_start3A_459 = arith.constant 0 : i32
        %dma_start3A_460 = arith.constant 0 : i32
        %dma_start3A_461 = tpu.memref_slice %arg3[%dma_start3A_459, %dma_start3A_460] : memref<1000000x64xf32, #tpu.memory_space<hbm>> -> memref<1000000x64xf32, #tpu.memory_space<hbm>>
        tpu.enqueue_indirect_dma source(%dma_start3A_461 : memref<1000000x64xf32, #tpu.memory_space<hbm>>) target(%dma_start3A_457 : memref<128x64xf32, #tpu.memory_space<vmem>>) offsets(%dma_start3A_458 : memref<128xi32, #tpu.memory_space<vmem>>) semaphore(%arg10 : memref<!tpu.dma_semaphore, #tpu.memory_space<semaphore_mem>>)
        %add3A_462 = arith.constant 128 : i32
        %add3A_463 = arith.addi %mul3A_447, %add3A_462 : i32
        %dma_start3A_464 = arith.constant 2 : i32
        %dma_start3A_465 = arith.constant 0 : i32
        %dma_start3A_466 = arith.constant 0 : i32
        %dma_start3A_467 = tpu.memref_slice %arg6[%dma_start3A_464, %dma_start3A_465, %dma_start3A_466] : memref<4x200x64xf32, #tpu.memory_space<vmem>> -> memref<1x200x64xf32, #tpu.memory_space<vmem>>
        %dma_start3A_468 = tpu.memref_squeeze %dma_start3A_467 : memref<1x200x64xf32, #tpu.memory_space<vmem>> -> memref<200x64xf32, #tpu.memory_space<vmem>>
        %dma_start3A_469 = arith.constant 128 : i32
        %dma_start3A_470 = arith.constant 0 : i32
        %dma_start3A_471 = tpu.memref_slice %dma_start3A_468[%dma_start3A_469, %dma_start3A_470] : memref<200x64xf32, #tpu.memory_space<vmem>> -> memref<72x64xf32, #tpu.memory_space<vmem>>
        %dma_start3A_472 = tpu.memref_slice %arg5[%add3A_463] : memref<25600xi32, #tpu.memory_space<vmem>> -> memref<72xi32, #tpu.memory_space<vmem>>
        %dma_start3A_473 = arith.constant 0 : i32
        %dma_start3A_474 = arith.constant 0 : i32
        %dma_start3A_475 = tpu.memref_slice %arg3[%dma_start3A_473, %dma_start3A_474] : memref<1000000x64xf32, #tpu.memory_space<hbm>> -> memref<1000000x64xf32, #tpu.memory_space<hbm>>
        tpu.enqueue_indirect_dma source(%dma_start3A_475 : memref<1000000x64xf32, #tpu.memory_space<hbm>>) target(%dma_start3A_471 : memref<72x64xf32, #tpu.memory_space<vmem>>) offsets(%dma_start3A_472 : memref<72xi32, #tpu.memory_space<vmem>>) semaphore(%arg10 : memref<!tpu.dma_semaphore, #tpu.memory_space<semaphore_mem>>)
      } else {
      }
      %dma_wait3A_374 = arith.constant 3 : i32
      %dma_wait3A_375 = arith.constant 0 : i32
      %dma_wait3A_376 = arith.constant 0 : i32
      %dma_wait3A_377 = tpu.memref_slice %arg6[%dma_wait3A_374, %dma_wait3A_375, %dma_wait3A_376] : memref<4x200x64xf32, #tpu.memory_space<vmem>> -> memref<1x200x64xf32, #tpu.memory_space<vmem>>
      %dma_wait3A_378 = tpu.memref_squeeze %dma_wait3A_377 : memref<1x200x64xf32, #tpu.memory_space<vmem>> -> memref<200x64xf32, #tpu.memory_space<vmem>>
      %dma_wait3A_379 = arith.constant 0 : i32
      %dma_wait3A_380 = arith.constant 0 : i32
      %dma_wait3A_381 = tpu.memref_slice %dma_wait3A_378[%dma_wait3A_379, %dma_wait3A_380] : memref<200x64xf32, #tpu.memory_space<vmem>> -> memref<128x64xf32, #tpu.memory_space<vmem>>
      %dma_wait3A_382 = arith.constant 0 : i32
      %dma_wait3A_383 = arith.constant 0 : i32
      %dma_wait3A_384 = tpu.memref_slice %arg3[%dma_wait3A_382, %dma_wait3A_383] : memref<1000000x64xf32, #tpu.memory_space<hbm>> -> memref<128x64xf32, #tpu.memory_space<hbm>>
      %dma_wait3A_385 = arith.constant 0 : i32
      %dma_wait3A_386 = arith.constant 0 : i32
      %dma_wait3A_387 = tpu.memref_slice %arg6[%dma_wait3A_374, %dma_wait3A_385, %dma_wait3A_386] : memref<4x200x64xf32, #tpu.memory_space<vmem>> -> memref<1x200x64xf32, #tpu.memory_space<vmem>>
      %dma_wait3A_388 = tpu.memref_squeeze %dma_wait3A_387 : memref<1x200x64xf32, #tpu.memory_space<vmem>> -> memref<200x64xf32, #tpu.memory_space<vmem>>
      %dma_wait3A_389 = arith.constant 0 : i32
      %dma_wait3A_390 = arith.constant 0 : i32
      %dma_wait3A_391 = tpu.memref_slice %dma_wait3A_388[%dma_wait3A_389, %dma_wait3A_390] : memref<200x64xf32, #tpu.memory_space<vmem>> -> memref<128x64xf32, #tpu.memory_space<vmem>>
      %dma_wait3A_392 = arith.constant 0 : i32
      %dma_wait3A_393 = arith.constant 0 : i32
      %dma_wait3A_394 = tpu.memref_slice %arg3[%dma_wait3A_392, %dma_wait3A_393] : memref<1000000x64xf32, #tpu.memory_space<hbm>> -> memref<128x64xf32, #tpu.memory_space<hbm>>
      tpu.wait_dma2 semaphore(%arg11 : memref<!tpu.dma_semaphore, #tpu.memory_space<semaphore_mem>>) src(%dma_wait3A_394 : memref<128x64xf32, #tpu.memory_space<hbm>>) dst(%dma_wait3A_391 : memref<128x64xf32, #tpu.memory_space<vmem>>)
      %dma_wait3A_395 = arith.constant 3 : i32
      %dma_wait3A_396 = arith.constant 0 : i32
      %dma_wait3A_397 = arith.constant 0 : i32
      %dma_wait3A_398 = tpu.memref_slice %arg6[%dma_wait3A_395, %dma_wait3A_396, %dma_wait3A_397] : memref<4x200x64xf32, #tpu.memory_space<vmem>> -> memref<1x200x64xf32, #tpu.memory_space<vmem>>
      %dma_wait3A_399 = tpu.memref_squeeze %dma_wait3A_398 : memref<1x200x64xf32, #tpu.memory_space<vmem>> -> memref<200x64xf32, #tpu.memory_space<vmem>>
      %dma_wait3A_400 = arith.constant 128 : i32
      %dma_wait3A_401 = arith.constant 0 : i32
      %dma_wait3A_402 = tpu.memref_slice %dma_wait3A_399[%dma_wait3A_400, %dma_wait3A_401] : memref<200x64xf32, #tpu.memory_space<vmem>> -> memref<72x64xf32, #tpu.memory_space<vmem>>
      %dma_wait3A_403 = arith.constant 0 : i32
      %dma_wait3A_404 = arith.constant 0 : i32
      %dma_wait3A_405 = tpu.memref_slice %arg3[%dma_wait3A_403, %dma_wait3A_404] : memref<1000000x64xf32, #tpu.memory_space<hbm>> -> memref<72x64xf32, #tpu.memory_space<hbm>>
      %dma_wait3A_406 = arith.constant 0 : i32
      %dma_wait3A_407 = arith.constant 0 : i32
      %dma_wait3A_408 = tpu.memref_slice %arg6[%dma_wait3A_395, %dma_wait3A_406, %dma_wait3A_407] : memref<4x200x64xf32, #tpu.memory_space<vmem>> -> memref<1x200x64xf32, #tpu.memory_space<vmem>>
      %dma_wait3A_409 = tpu.memref_squeeze %dma_wait3A_408 : memref<1x200x64xf32, #tpu.memory_space<vmem>> -> memref<200x64xf32, #tpu.memory_space<vmem>>
      %dma_wait3A_410 = arith.constant 128 : i32
      %dma_wait3A_411 = arith.constant 0 : i32
      %dma_wait3A_412 = tpu.memref_slice %dma_wait3A_409[%dma_wait3A_410, %dma_wait3A_411] : memref<200x64xf32, #tpu.memory_space<vmem>> -> memref<72x64xf32, #tpu.memory_space<vmem>>
      %dma_wait3A_413 = arith.constant 0 : i32
      %dma_wait3A_414 = arith.constant 0 : i32
      %dma_wait3A_415 = tpu.memref_slice %arg3[%dma_wait3A_413, %dma_wait3A_414] : memref<1000000x64xf32, #tpu.memory_space<hbm>> -> memref<72x64xf32, #tpu.memory_space<hbm>>
      tpu.wait_dma2 semaphore(%arg11 : memref<!tpu.dma_semaphore, #tpu.memory_space<semaphore_mem>>) src(%dma_wait3A_415 : memref<72x64xf32, #tpu.memory_space<hbm>>) dst(%dma_wait3A_412 : memref<72x64xf32, #tpu.memory_space<vmem>>)
      %ge3A_416 = arith.constant 2 : i32
      %ge3A_417 = arith.cmpi sge, %add3A_366, %ge3A_416 : i32
      %convert_element_type3A_418 = arith.extui %ge3A_417 : i1 to i32
      %cond3A_419 = arith.constant 0 : i32
      %cond3A_420 = arith.cmpi ne, %convert_element_type3A_418, %cond3A_419 : i32
      scf.if %cond3A_420 {
        %sub3A = arith.constant 2 : i32
        %sub3A_444 = arith.subi %add3A_366, %sub3A : i32
        %add3A_445 = arith.addi %mul3A_2, %sub3A_444 : i32
        %dma_wait3A_446 = arith.constant 1 : i32
        %dma_wait3A_447 = arith.constant 0 : i32
        %dma_wait3A_448 = arith.constant 0 : i32
        %dma_wait3A_449 = tpu.memref_slice %arg7[%dma_wait3A_446, %dma_wait3A_447, %dma_wait3A_448] : memref<2x64x200xf32, #tpu.memory_space<vmem>> -> memref<1x64x200xf32, #tpu.memory_space<vmem>>
        %dma_wait3A_450 = tpu.memref_squeeze %dma_wait3A_449 : memref<1x64x200xf32, #tpu.memory_space<vmem>> -> memref<64x200xf32, #tpu.memory_space<vmem>>
        %dma_wait3A_451 = arith.constant 0 : i32
        %dma_wait3A_452 = arith.constant 0 : i32
        %dma_wait3A_453 = tpu.memref_slice %arg4[%add3A_445, %dma_wait3A_451, %dma_wait3A_452] : memref<4096x64x200xf32, #tpu.memory_space<hbm>> -> memref<1x64x200xf32, #tpu.memory_space<hbm>>
        %dma_wait3A_454 = tpu.memref_squeeze %dma_wait3A_453 : memref<1x64x200xf32, #tpu.memory_space<hbm>> -> memref<64x200xf32, #tpu.memory_space<hbm>>
        %dma_wait3A_455 = arith.constant 0 : i32
        %dma_wait3A_456 = arith.constant 0 : i32
        %dma_wait3A_457 = tpu.memref_slice %arg4[%add3A_445, %dma_wait3A_455, %dma_wait3A_456] : memref<4096x64x200xf32, #tpu.memory_space<hbm>> -> memref<1x64x200xf32, #tpu.memory_space<hbm>>
        %dma_wait3A_458 = tpu.memref_squeeze %dma_wait3A_457 : memref<1x64x200xf32, #tpu.memory_space<hbm>> -> memref<64x200xf32, #tpu.memory_space<hbm>>
        %dma_wait3A_459 = arith.constant 0 : i32
        %dma_wait3A_460 = arith.constant 0 : i32
        %dma_wait3A_461 = tpu.memref_slice %arg7[%dma_wait3A_446, %dma_wait3A_459, %dma_wait3A_460] : memref<2x64x200xf32, #tpu.memory_space<vmem>> -> memref<1x64x200xf32, #tpu.memory_space<vmem>>
        %dma_wait3A_462 = tpu.memref_squeeze %dma_wait3A_461 : memref<1x64x200xf32, #tpu.memory_space<vmem>> -> memref<64x200xf32, #tpu.memory_space<vmem>>
        tpu.wait_dma2 semaphore(%arg13 : memref<!tpu.dma_semaphore, #tpu.memory_space<semaphore_mem>>) src(%dma_wait3A_462 : memref<64x200xf32, #tpu.memory_space<vmem>>) dst(%dma_wait3A_458 : memref<64x200xf32, #tpu.memory_space<hbm>>)
      } else {
      }
      %parallel_loop3A_421 = arith.constant 0 : i32
      %parallel_loop3A_422 = arith.constant 200 : i32
      %parallel_loop3A_423 = arith.constant 1 : i32
      %parallel_loop3A_424 = arith.constant 3 : i32
      %parallel_loop3A_425 = arith.constant 1 : i32
      scf.for %parallel_loop3A_444 = %parallel_loop3A_421 to %parallel_loop3A_422 step %parallel_loop3A_423  : i32 {
        %parallel_loop3A_445 = vector.broadcast %parallel_loop3A_444 : i32 to vector<16xi32>
        %parallel_loop3A_446 = arith.constant 0 : i32
        %parallel_loop3A_447 = arith.constant 0 : i32
        %parallel_loop3A_448 = tpu.memref_slice %arg6[%parallel_loop3A_424, %parallel_loop3A_446, %parallel_loop3A_447] : memref<4x200x64xf32, #tpu.memory_space<vmem>> -> memref<1x200x64xf32, #tpu.memory_space<vmem>>
        %parallel_loop3A_449 = tpu.memref_squeeze %parallel_loop3A_448 : memref<1x200x64xf32, #tpu.memory_space<vmem>> -> memref<200x64xf32, #tpu.memory_space<vmem>>
        %parallel_loop3A_450 = arith.index_cast %parallel_loop3A_444 : i32 to index
        %parallel_loop3A_451 = arith.constant 0 : index
        %parallel_loop3A_452 = tpu.vector_load %parallel_loop3A_449[%parallel_loop3A_450, %parallel_loop3A_451] {strides = array<i32>} : memref<200x64xf32, #tpu.memory_space<vmem>>, vector<16xf32>,
        %parallel_loop3A_453 = arith.constant 0 : i32
        %parallel_loop3A_454 = vector.broadcast %parallel_loop3A_453 : i32 to vector<16xi32>
        %parallel_loop3A_455 = arith.addi %iota3A, %parallel_loop3A_454 : vector<16xi32>
        %parallel_loop3A_456 = arith.constant 0 : i32
        %parallel_loop3A_457 = arith.constant 0 : i32
        %parallel_loop3A_458 = tpu.memref_slice %arg7[%parallel_loop3A_425, %parallel_loop3A_456, %parallel_loop3A_457] : memref<2x64x200xf32, #tpu.memory_space<vmem>> -> memref<1x64x200xf32, #tpu.memory_space<vmem>>
        %parallel_loop3A_459 = tpu.memref_squeeze %parallel_loop3A_458 : memref<1x64x200xf32, #tpu.memory_space<vmem>> -> memref<64x200xf32, #tpu.memory_space<vmem>>
        tpu.vector_store_idx %parallel_loop3A_459[%parallel_loop3A_455, %parallel_loop3A_445], %parallel_loop3A_452 : memref<64x200xf32, #tpu.memory_space<vmem>>[vector<16xi32>, vector<16xi32>], vector<16xf32>,
        %parallel_loop3A_460 = arith.constant 0 : i32
        %parallel_loop3A_461 = arith.constant 0 : i32
        %parallel_loop3A_462 = tpu.memref_slice %arg6[%parallel_loop3A_424, %parallel_loop3A_460, %parallel_loop3A_461] : memref<4x200x64xf32, #tpu.memory_space<vmem>> -> memref<1x200x64xf32, #tpu.memory_space<vmem>>
        %parallel_loop3A_463 = tpu.memref_squeeze %parallel_loop3A_462 : memref<1x200x64xf32, #tpu.memory_space<vmem>> -> memref<200x64xf32, #tpu.memory_space<vmem>>
        %parallel_loop3A_464 = arith.index_cast %parallel_loop3A_444 : i32 to index
        %parallel_loop3A_465 = arith.constant 16 : index
        %parallel_loop3A_466 = tpu.vector_load %parallel_loop3A_463[%parallel_loop3A_464, %parallel_loop3A_465] {strides = array<i32>} : memref<200x64xf32, #tpu.memory_space<vmem>>, vector<16xf32>,
        %parallel_loop3A_467 = arith.constant 16 : i32
        %parallel_loop3A_468 = vector.broadcast %parallel_loop3A_467 : i32 to vector<16xi32>
        %parallel_loop3A_469 = arith.addi %iota3A, %parallel_loop3A_468 : vector<16xi32>
        %parallel_loop3A_470 = arith.constant 0 : i32
        %parallel_loop3A_471 = arith.constant 0 : i32
        %parallel_loop3A_472 = tpu.memref_slice %arg7[%parallel_loop3A_425, %parallel_loop3A_470, %parallel_loop3A_471] : memref<2x64x200xf32, #tpu.memory_space<vmem>> -> memref<1x64x200xf32, #tpu.memory_space<vmem>>
        %parallel_loop3A_473 = tpu.memref_squeeze %parallel_loop3A_472 : memref<1x64x200xf32, #tpu.memory_space<vmem>> -> memref<64x200xf32, #tpu.memory_space<vmem>>
        tpu.vector_store_idx %parallel_loop3A_473[%parallel_loop3A_469, %parallel_loop3A_445], %parallel_loop3A_466 : memref<64x200xf32, #tpu.memory_space<vmem>>[vector<16xi32>, vector<16xi32>], vector<16xf32>,
        %parallel_loop3A_474 = arith.constant 0 : i32
        %parallel_loop3A_475 = arith.constant 0 : i32
        %parallel_loop3A_476 = tpu.memref_slice %arg6[%parallel_loop3A_424, %parallel_loop3A_474, %parallel_loop3A_475] : memref<4x200x64xf32, #tpu.memory_space<vmem>> -> memref<1x200x64xf32, #tpu.memory_space<vmem>>
        %parallel_loop3A_477 = tpu.memref_squeeze %parallel_loop3A_476 : memref<1x200x64xf32, #tpu.memory_space<vmem>> -> memref<200x64xf32, #tpu.memory_space<vmem>>
        %parallel_loop3A_478 = arith.index_cast %parallel_loop3A_444 : i32 to index
        %parallel_loop3A_479 = arith.constant 32 : index
        %parallel_loop3A_480 = tpu.vector_load %parallel_loop3A_477[%parallel_loop3A_478, %parallel_loop3A_479] {strides = array<i32>} : memref<200x64xf32, #tpu.memory_space<vmem>>, vector<16xf32>,
        %parallel_loop3A_481 = arith.constant 32 : i32
        %parallel_loop3A_482 = vector.broadcast %parallel_loop3A_481 : i32 to vector<16xi32>
        %parallel_loop3A_483 = arith.addi %iota3A, %parallel_loop3A_482 : vector<16xi32>
        %parallel_loop3A_484 = arith.constant 0 : i32
        %parallel_loop3A_485 = arith.constant 0 : i32
        %parallel_loop3A_486 = tpu.memref_slice %arg7[%parallel_loop3A_425, %parallel_loop3A_484, %parallel_loop3A_485] : memref<2x64x200xf32, #tpu.memory_space<vmem>> -> memref<1x64x200xf32, #tpu.memory_space<vmem>>
        %parallel_loop3A_487 = tpu.memref_squeeze %parallel_loop3A_486 : memref<1x64x200xf32, #tpu.memory_space<vmem>> -> memref<64x200xf32, #tpu.memory_space<vmem>>
        tpu.vector_store_idx %parallel_loop3A_487[%parallel_loop3A_483, %parallel_loop3A_445], %parallel_loop3A_480 : memref<64x200xf32, #tpu.memory_space<vmem>>[vector<16xi32>, vector<16xi32>], vector<16xf32>,
        %parallel_loop3A_488 = arith.constant 0 : i32
        %parallel_loop3A_489 = arith.constant 0 : i32
        %parallel_loop3A_490 = tpu.memref_slice %arg6[%parallel_loop3A_424, %parallel_loop3A_488, %parallel_loop3A_489] : memref<4x200x64xf32, #tpu.memory_space<vmem>> -> memref<1x200x64xf32, #tpu.memory_space<vmem>>
        %parallel_loop3A_491 = tpu.memref_squeeze %parallel_loop3A_490 : memref<1x200x64xf32, #tpu.memory_space<vmem>> -> memref<200x64xf32, #tpu.memory_space<vmem>>
        %parallel_loop3A_492 = arith.index_cast %parallel_loop3A_444 : i32 to index
        %parallel_loop3A_493 = arith.constant 48 : index
        %parallel_loop3A_494 = tpu.vector_load %parallel_loop3A_491[%parallel_loop3A_492, %parallel_loop3A_493] {strides = array<i32>} : memref<200x64xf32, #tpu.memory_space<vmem>>, vector<16xf32>,
        %parallel_loop3A_495 = arith.constant 48 : i32
        %parallel_loop3A_496 = vector.broadcast %parallel_loop3A_495 : i32 to vector<16xi32>
        %parallel_loop3A_497 = arith.addi %iota3A, %parallel_loop3A_496 : vector<16xi32>
        %parallel_loop3A_498 = arith.constant 0 : i32
        %parallel_loop3A_499 = arith.constant 0 : i32
        %parallel_loop3A_500 = tpu.memref_slice %arg7[%parallel_loop3A_425, %parallel_loop3A_498, %parallel_loop3A_499] : memref<2x64x200xf32, #tpu.memory_space<vmem>> -> memref<1x64x200xf32, #tpu.memory_space<vmem>>
        %parallel_loop3A_501 = tpu.memref_squeeze %parallel_loop3A_500 : memref<1x64x200xf32, #tpu.memory_space<vmem>> -> memref<64x200xf32, #tpu.memory_space<vmem>>
        tpu.vector_store_idx %parallel_loop3A_501[%parallel_loop3A_497, %parallel_loop3A_445], %parallel_loop3A_494 : memref<64x200xf32, #tpu.memory_space<vmem>>[vector<16xi32>, vector<16xi32>], vector<16xf32>,
      } {sc.loop_unroll_factor = 4 : i64, sc.parallel_access}
      %add3A_426 = arith.addi %mul3A_2, %add3A_366 : i32
      %dma_start3A_427 = arith.constant 1 : i32
      %dma_start3A_428 = arith.constant 0 : i32
      %dma_start3A_429 = arith.constant 0 : i32
      %dma_start3A_430 = tpu.memref_slice %arg7[%dma_start3A_427, %dma_start3A_428, %dma_start3A_429] : memref<2x64x200xf32, #tpu.memory_space<vmem>> -> memref<1x64x200xf32, #tpu.memory_space<vmem>>
      %dma_start3A_431 = tpu.memref_squeeze %dma_start3A_430 : memref<1x64x200xf32, #tpu.memory_space<vmem>> -> memref<64x200xf32, #tpu.memory_space<vmem>>
      %dma_start3A_432 = arith.constant 0 : i32
      %dma_start3A_433 = arith.constant 0 : i32
      %dma_start3A_434 = tpu.memref_slice %arg4[%add3A_426, %dma_start3A_432, %dma_start3A_433] : memref<4096x64x200xf32, #tpu.memory_space<hbm>> -> memref<1x64x200xf32, #tpu.memory_space<hbm>>
      %dma_start3A_435 = tpu.memref_squeeze %dma_start3A_434 : memref<1x64x200xf32, #tpu.memory_space<hbm>> -> memref<64x200xf32, #tpu.memory_space<hbm>>
      %dma_start3A_436 = arith.constant 0 : i32
      %dma_start3A_437 = arith.constant 0 : i32
      %dma_start3A_438 = tpu.memref_slice %arg4[%add3A_426, %dma_start3A_436, %dma_start3A_437] : memref<4096x64x200xf32, #tpu.memory_space<hbm>> -> memref<1x64x200xf32, #tpu.memory_space<hbm>>
      %dma_start3A_439 = tpu.memref_squeeze %dma_start3A_438 : memref<1x64x200xf32, #tpu.memory_space<hbm>> -> memref<64x200xf32, #tpu.memory_space<hbm>>
      %dma_start3A_440 = arith.constant 0 : i32
      %dma_start3A_441 = arith.constant 0 : i32
      %dma_start3A_442 = tpu.memref_slice %arg7[%dma_start3A_427, %dma_start3A_440, %dma_start3A_441] : memref<2x64x200xf32, #tpu.memory_space<vmem>> -> memref<1x64x200xf32, #tpu.memory_space<vmem>>
      %dma_start3A_443 = tpu.memref_squeeze %dma_start3A_442 : memref<1x64x200xf32, #tpu.memory_space<vmem>> -> memref<64x200xf32, #tpu.memory_space<vmem>>
      tpu.enqueue_dma source(%dma_start3A_443 : memref<64x200xf32, #tpu.memory_space<vmem>>) target(%dma_start3A_439 : memref<64x200xf32, #tpu.memory_space<hbm>>) target_semaphore(%arg13 : memref<!tpu.dma_semaphore, #tpu.memory_space<semaphore_mem>>)
    }
    %scan3A_86 = arith.constant 32 : i32
    %add3A_87 = arith.constant 126 : i32
    %add3A_88 = arith.addi %mul3A_2, %add3A_87 : i32
    %dma_wait3A = arith.constant 0 : i32
    %dma_wait3A_89 = arith.constant 0 : i32
    %dma_wait3A_90 = arith.constant 0 : i32
    %dma_wait3A_91 = tpu.memref_slice %arg7[%dma_wait3A, %dma_wait3A_89, %dma_wait3A_90] : memref<2x64x200xf32, #tpu.memory_space<vmem>> -> memref<1x64x200xf32, #tpu.memory_space<vmem>>
    %dma_wait3A_92 = tpu.memref_squeeze %dma_wait3A_91 : memref<1x64x200xf32, #tpu.memory_space<vmem>> -> memref<64x200xf32, #tpu.memory_space<vmem>>
    %dma_wait3A_93 = arith.constant 0 : i32
    %dma_wait3A_94 = arith.constant 0 : i32
    %dma_wait3A_95 = tpu.memref_slice %arg4[%add3A_88, %dma_wait3A_93, %dma_wait3A_94] : memref<4096x64x200xf32, #tpu.memory_space<hbm>> -> memref<1x64x200xf32, #tpu.memory_space<hbm>>
    %dma_wait3A_96 = tpu.memref_squeeze %dma_wait3A_95 : memref<1x64x200xf32, #tpu.memory_space<hbm>> -> memref<64x200xf32, #tpu.memory_space<hbm>>
    %dma_wait3A_97 = arith.constant 0 : i32
    %dma_wait3A_98 = arith.constant 0 : i32
    %dma_wait3A_99 = tpu.memref_slice %arg4[%add3A_88, %dma_wait3A_97, %dma_wait3A_98] : memref<4096x64x200xf32, #tpu.memory_space<hbm>> -> memref<1x64x200xf32, #tpu.memory_space<hbm>>
    %dma_wait3A_100 = tpu.memref_squeeze %dma_wait3A_99 : memref<1x64x200xf32, #tpu.memory_space<hbm>> -> memref<64x200xf32, #tpu.memory_space<hbm>>
    %dma_wait3A_101 = arith.constant 0 : i32
    %dma_wait3A_102 = arith.constant 0 : i32
    %dma_wait3A_103 = tpu.memref_slice %arg7[%dma_wait3A, %dma_wait3A_101, %dma_wait3A_102] : memref<2x64x200xf32, #tpu.memory_space<vmem>> -> memref<1x64x200xf32, #tpu.memory_space<vmem>>
    %dma_wait3A_104 = tpu.memref_squeeze %dma_wait3A_103 : memref<1x64x200xf32, #tpu.memory_space<vmem>> -> memref<64x200xf32, #tpu.memory_space<vmem>>
    tpu.wait_dma2 semaphore(%arg12 : memref<!tpu.dma_semaphore, #tpu.memory_space<semaphore_mem>>) src(%dma_wait3A_104 : memref<64x200xf32, #tpu.memory_space<vmem>>) dst(%dma_wait3A_100 : memref<64x200xf32, #tpu.memory_space<hbm>>)
    %add3A_105 = arith.constant 127 : i32
    %add3A_106 = arith.addi %mul3A_2, %add3A_105 : i32
    %dma_wait3A_107 = arith.constant 1 : i32
    %dma_wait3A_108 = arith.constant 0 : i32
    %dma_wait3A_109 = arith.constant 0 : i32
    %dma_wait3A_110 = tpu.memref_slice %arg7[%dma_wait3A_107, %dma_wait3A_108, %dma_wait3A_109] : memref<2x64x200xf32, #tpu.memory_space<vmem>> -> memref<1x64x200xf32, #tpu.memory_space<vmem>>
    %dma_wait3A_111 = tpu.memref_squeeze %dma_wait3A_110 : memref<1x64x200xf32, #tpu.memory_space<vmem>> -> memref<64x200xf32, #tpu.memory_space<vmem>>
    %dma_wait3A_112 = arith.constant 0 : i32
    %dma_wait3A_113 = arith.constant 0 : i32
    %dma_wait3A_114 = tpu.memref_slice %arg4[%add3A_106, %dma_wait3A_112, %dma_wait3A_113] : memref<4096x64x200xf32, #tpu.memory_space<hbm>> -> memref<1x64x200xf32, #tpu.memory_space<hbm>>
    %dma_wait3A_115 = tpu.memref_squeeze %dma_wait3A_114 : memref<1x64x200xf32, #tpu.memory_space<hbm>> -> memref<64x200xf32, #tpu.memory_space<hbm>>
    %dma_wait3A_116 = arith.constant 0 : i32
    %dma_wait3A_117 = arith.constant 0 : i32
    %dma_wait3A_118 = tpu.memref_slice %arg4[%add3A_106, %dma_wait3A_116, %dma_wait3A_117] : memref<4096x64x200xf32, #tpu.memory_space<hbm>> -> memref<1x64x200xf32, #tpu.memory_space<hbm>>
    %dma_wait3A_119 = tpu.memref_squeeze %dma_wait3A_118 : memref<1x64x200xf32, #tpu.memory_space<hbm>> -> memref<64x200xf32, #tpu.memory_space<hbm>>
    %dma_wait3A_120 = arith.constant 0 : i32
    %dma_wait3A_121 = arith.constant 0 : i32
    %dma_wait3A_122 = tpu.memref_slice %arg7[%dma_wait3A_107, %dma_wait3A_120, %dma_wait3A_121] : memref<2x64x200xf32, #tpu.memory_space<vmem>> -> memref<1x64x200xf32, #tpu.memory_space<vmem>>
    %dma_wait3A_123 = tpu.memref_squeeze %dma_wait3A_122 : memref<1x64x200xf32, #tpu.memory_space<vmem>> -> memref<64x200xf32, #tpu.memory_space<vmem>>
    tpu.wait_dma2 semaphore(%arg13 : memref<!tpu.dma_semaphore, #tpu.memory_space<semaphore_mem>>) src(%dma_wait3A_123 : memref<64x200xf32, #tpu.memory_space<vmem>>) dst(%dma_wait3A_119 : memref<64x200xf32, #tpu.memory_space<hbm>>)
    return
  }
}

</mosaic_0001>

<sc_bundles>
// kernel: _run.3.cloned.1.call-start
scs
__scs_entry_jumppad:
0x0: {  	(pc) =	sbr.rel $0x88, $3  }
0x1: {  	(tag) =	ssettag $0x0;
	lr =	simm.s32 $0x1  }
0x2: {  	[smem:$0x3F9F] =	sst lr;
	_ =	strace $0xD0000000  }
0x3: {  	_ = 	snop  }
0x4: {  	_ = 	snop  }
0x5: {  	_ = 	snop  }
0x6: {  	_ = 	snop  }
0x7: {  	_ = 	snop  }
__scs_overlays_trampoline_lowered:
0x8: {  	[smem:$0x3FAE] =	sst s0  }
0x9: {  	[smem:$0x3FAF] =	sst s1  }
0xa: {  	[smem:$0x3FB0] =	sst s2  }
0xb: {  	[smem:$0x3FB1] =	sst s3  }
0xc: {  	[smem:$0x3FB2] =	sst s4  }
0xd: {  	[smem:$0x3FB3] =	sst s5  }
0xe: {  	[smem:$0x3FB4] =	sst s6  }
0xf: {  	[smem:$0x3FB5] =	sst s7  }
0x10: {  	[smem:$0x3FB6] =	sst s8  }
0x11: {  	[smem:$0x3FB7] =	sst s9;
	s0 =	simm.s32 @!p0 $0x0  }
0x12: {  	s1 =	sld [smem:$0x3F9D];
	s0 =	simm.s32 @p0 $0x1  }
0x13: {  	[smem:$0x3FB8] =	sst s0;
	s0 =	simm.s32 @!p1 $0x0  }
0x14: {  	s2 =	sld [smem:$0x3F9C];
	s0 =	simm.s32 @p1 $0x1  }
0x15: {  	[smem:$0x3FB9] =	sst s0;
	s0 =	simm.s32 @!p2 $0x0  }
0x16: {  	s3 =	sld [smem:$0x3FDB];
	s0 =	simm.s32 @p2 $0x1  }
0x17: {  	s4 =	simm.s32 $0x1BF5;
	[smem:$0x3FBB] =	sst s0  }
0x18: {  	s0 =	sld [smem:$0x3F9E];
	_ =	swait.ge [sflag:s4], $0x0  }
0x19: {  	s7 =	sld [smem:$0x3F9F]  }
0x1a: {  	s8 =	sadd.s32 $0xFFFFE003, lr  }
0x1b: {  	s9 =	sadd.s32 $0xFFFFFEF7, lr;
	s5 =	simm.s32 $0xFFFFFFFF;
	p2 =	slt.u32 s8, $0xFFFFF086  }
0x1c: {  	p1 =	slt.u32 s9, $0xF7A;
	s5 =	simm.s32 @!p2 $0x0  }
0x1d: {  	s5 =	simm.s32 @p1 $0x1;
	p0 =	seq.s32 s7, s2  }
0x1e: {  	s7 =	smul.u32 @!p0 $0xF7A, s2;
	p2 =	seq.s32 @!p0 s5, $0x0  }
0x1f: {  	s9 =	smul.u32 $0xF7A, s1;
	s8 =	simm.s32 @!p0 $0x1BF5;
	p2 =	por !p2, p0  }
0x20: {  	[sflag:s8] =	ssyncset.s32 @!p0 $0xFFFFF086;
	s6 =	sadd.s32 @!p0 s3, s7;
	s7 =	simm.s32 @!p0 $0x108  }
0x21: {  	s3 =	sadd.s32 s3, s9;
	s6 =	sadd.s32 @!p0 $0x88, s6;
	s7 =	simm.s32 @p2 $0x1082  }
0x22: {  	[simem:s7], [sflag:s8] =	dma.local @!p0 [hbm:s6], $0xF7A  }
0x23: {  	s9 =	sor.u32 $0xD0000000, s2;
	s6 =	simm.s32 $0x108;
	_ =	swait.ge @!p0 [sflag:s8], $0x0  }
0x24: {  	s3 =	sadd.s32 $0x88, s3;
	s6 =	simm.s32 @!p1 $0x1082;
	[sflag:s4] =	ssyncset.s32 $0xFFFFF086  }
0x25: {  	[simem:s6], [sflag:s4] =	dma.local [hbm:s3], $0xF7A  }
0x26: {  	[smem:$0x3F9F] =	sst s1;
	(tag) =	ssettag s2;
	_ =	strace s9  }
0x27: {  	s1 =	sld [smem:$0x3FAF]  }
0x28: {  	s2 =	sld [smem:$0x3FB0]  }
0x29: {  	s4 =	sld [smem:$0x3FB2]  }
0x2a: {  	p0 =	seq.s32 s5, $0x0;
	s5 =	sld [smem:$0x3FB3]  }
0x2b: {  	s6 =	sld [smem:$0x3FB4]  }
0x2c: {  	s7 =	sld [smem:$0x3FB5]  }
0x2d: {  	s3 =	simm.s32 $0x108;
	s8 =	sld [smem:$0x3FB6]  }
0x2e: {  	s3 =	simm.s32 @!p0 $0x1082;
	s9 =	sld [smem:$0x3FB7]  }
0x2f: {  	lr =	sadd.s32 s0, s3;
	s0 =	sld [smem:$0x3FAE]  }
0x30: {  	s3 =	sld [smem:$0x3FB1]  }
0x31: {  	[smem:$0x3FBA] =	sst s10  }
0x32: {  	s10 =	sld [smem:$0x3FB8];
	_ =	sdelay $0x3  }
0x33: {  	p0 =	seq.s32 s10, $0x1;
	s10 =	sld [smem:$0x3FBA];
	_ =	sdelay $0x3  }
0x34: {  	[smem:$0x3FBA] =	sst s10  }
0x35: {  	s10 =	sld [smem:$0x3FB9];
	_ =	sdelay $0x3  }
0x36: {  	p1 =	seq.s32 s10, $0x1;
	s10 =	sld [smem:$0x3FBA];
	_ =	sdelay $0x3  }
0x37: {  	[smem:$0x3FBA] =	sst s10  }
0x38: {  	s10 =	sld [smem:$0x3FBB]  }
0x39: {  	_ = 	snop;
	(pc) =	sbr.ind lr, $3  }
0x3a: {  	_ = 	snop  }
0x3b: {  	_ = 	snop  }
0x3c: {  	p2 =	seq.s32 s10, $0x1;
	s10 =	sld [smem:$0x3FBA]  }
0x3d: {  	_ =	shalt  }
0x3e: {  	_ =	shalt  }
0x3f: {  	_ =	shalt  }
0x40: {  	_ =	shalt  }
0x41: {  	_ =	shalt  }
0x42: {  	_ =	shalt  }
0x43: {  	_ =	shalt  }
0x44: {  	_ =	shalt  }
0x45: {  	_ =	shalt  }
0x46: {  	_ =	shalt  }
0x47: {  	_ =	shalt  }
0x48: {  	_ =	shalt  }
0x49: {  	_ =	shalt  }
0x4a: {  	_ =	shalt  }
0x4b: {  	_ =	shalt  }
0x4c: {  	_ =	shalt  }
0x4d: {  	_ =	shalt  }
0x4e: {  	_ =	shalt  }
0x4f: {  	_ =	shalt  }
0x50: {  	_ =	shalt  }
0x51: {  	_ =	shalt  }
0x52: {  	_ =	shalt  }
0x53: {  	_ =	shalt  }
0x54: {  	_ =	shalt  }
0x55: {  	_ =	shalt  }
0x56: {  	_ =	shalt  }
0x57: {  	_ =	shalt  }
0x58: {  	_ =	shalt  }
0x59: {  	_ =	shalt  }
0x5a: {  	_ =	shalt  }
0x5b: {  	_ =	shalt  }
0x5c: {  	_ =	shalt  }
0x5d: {  	_ =	shalt  }
0x5e: {  	_ =	shalt  }
0x5f: {  	_ =	shalt  }
0x60: {  	_ =	shalt  }
0x61: {  	_ =	shalt  }
0x62: {  	_ =	shalt  }
0x63: {  	_ =	shalt  }
0x64: {  	_ =	shalt  }
0x65: {  	_ =	shalt  }
0x66: {  	_ =	shalt  }
0x67: {  	_ =	shalt  }
0x68: {  	_ =	shalt  }
0x69: {  	_ =	shalt  }
0x6a: {  	_ =	shalt  }
0x6b: {  	_ =	shalt  }
0x6c: {  	_ =	shalt  }
0x6d: {  	_ =	shalt  }
0x6e: {  	_ =	shalt  }
0x6f: {  	_ =	shalt  }
0x70: {  	_ =	shalt  }
0x71: {  	_ =	shalt  }
0x72: {  	_ =	shalt  }
0x73: {  	_ =	shalt  }
0x74: {  	_ =	shalt  }
0x75: {  	_ =	shalt  }
0x76: {  	_ =	shalt  }
0x77: {  	_ =	shalt  }
0x78: {  	_ =	shalt  }
0x79: {  	_ =	shalt  }
0x7a: {  	_ =	shalt  }
0x7b: {  	_ =	shalt  }
0x7c: {  	_ =	shalt  }
0x7d: {  	_ =	shalt  }
0x7e: {  	_ =	shalt  }
0x7f: {  	_ =	shalt  }
0x80: {  	_ =	shalt  }
0x81: {  	_ =	shalt  }
0x82: {  	_ =	shalt  }
0x83: {  	_ =	shalt  }
0x84: {  	_ =	shalt  }
0x85: {  	_ =	shalt  }
0x86: {  	_ =	shalt  }
0x87: {  	_ =	shalt  }
.Lfunc_end0:
.L_simem_size_0:
called_computation.1_lowered:
.L_overlay_start_0:
0x88: {  	s2 =	sld [smem:$0x3FD9]  }
0x89: {  	s3 =	sld [smem:$0x3FFE];
	_ =	sdelay $0x1  }
0x8a: {  	s1 =	srdreg.scid  }
0x8b: {  	s0 =	sand.u32 $0x1, s1  }
0x8c: {  	s17 =	sshll.u32 s0, $0xA;
	s2 =	sadd.s32 s3, s2  }
0x8d: {  	s2 =	sadd.s32 s2, s17  }
0x8e: {  	[smem:$0x3FC6] =	sst s2  }
0x8f: {  	_ = 	snop  }
0x90: {  	s2 =	sld [smem:$0x3FD0];
	(tm) =	ssettm $0x1  }
0x91: {  	s18 =	sld [smem:$0x3FFB];
	_ =	sdelay $0x3  }
0x92: {  	_ =	strace s18  }
0x93: {  	s3 =	sld [smem:$0x3FFC];
	_ =	sdelay $0x3  }
0x94: {  	_ =	strace s3  }
0x95: {  	s3 =	sld [smem:$0x3FFD];
	_ =	sdelay $0x3  }
0x96: {  	_ =	strace s3  }
0x97: {  	_ =	strace $0x8FFFFFFF  }
0x98: {  	s19 =	sld [smem:$0x3FDB];
	_ =	sdelay $0x1  }
0x99: {  	s4 =	simm.s32 $_scs_section_size  }
0x9a: {  	s5 =	simm.s32 $_size__tile_overlayer_lowered;
	s6 =	simm.s32 $_tile_overlayer_lowered  }
0x9b: {  	s22 =	simm.s32 $0x1BFF;
	s21 =	sshll.u32 s6, $0x1;
	s3 =	sadd.s32 s4, s19  }
0x9c: {  	s7 =	simm.s32 $0x0;
	s20 =	sshll.u32 s5, $0x1;
	s5 =	sadd.s32 s21, s3  }
0x9d: {  	[timem:s7], [sflag:s22] =	dma.local [hbm:s5], s20  }
0x9e: {  	_ =	swait.ge [sflag:s22], s20  }
0x9f: {  	s4 =	ssub.s32 $0x0, s20;
	[sflag:s22] =	ssyncset.done $0x0  }
0xa0: {  	[sflag:s22] =	ssyncadd.s32 s4;
	_ =	sdelay $0x1  }
0xa1: {  	s23 =	simm.s32 $0x1B8B  }
0xa2: {  	_ =	swait.ge [sflag:s23], $0x1  }
0xa3: {  	[sflag:s23] =	ssyncset.done $0x0  }
0xa4: {  	s25 =	simm.s32 $0x1B8E;
	s24 =	sld [smem:$0x3FFE];
	[sflag:s23] =	ssyncadd.s32 $0xFFFFFFFF  }
0xa5: {  	s26 =	simm.s32 $execute0_lowered;
	[smem:$0x3FD2] =	sst s25  }
0xa6: {  	s5 =	sshll.u32 s26, $0x1;
	_ =	strace $0x80000046;
	[dreg:$0x1] =	wrdreg $0xFFFFFFFF  }
0xa7: {  	s28 =	simm.s32 $_size_execute0_lowered;
	s3 =	sadd.s32 s3, s5;
	[dreg:$0x0] =	wrdreg $0x0  }
0xa8: {  	s5 =	sshll.u32 s28, $0x1;
	[dreg:$0x2] =	wrdreg s3  }
0xa9: {  	[dreg:$0x3] =	wrdreg s5  }
0xaa: {  	[dreg:$0x4] =	wrdreg $0xC0  }
0xab: {  	_ =	task [dreg:s7], $0x5FFFF  }
0xac: {  	[dreg:$0x1] =	wrdreg $0xFFFFFFFF  }
0xad: {  	[dreg:$0x0] =	wrdreg $0x60  }
0xae: {  	[dreg:$0x2] =	wrdreg s24  }
0xaf: {  	[dreg:$0x3] =	wrdreg s2  }
0xb0: {  	[dreg:$0x4] =	wrdreg $0x9  }
0xb1: {  	_ =	task.clear_ibuf [dreg:s7], $0x5FFFF;
	_ =	strace $0x90000046  }
0xb2: {  	s29 =	simm.s32 $0x9;
	_ =	strace $0x80000048  }
0xb3: {  	_ =	swait.ge [sflag:s29], $0x1  }
0xb4: {  	[sflag:s29] =	ssyncadd.s32 $0xFFFFFFFF  }
0xb5: {  	_ =	strace $0x90000048  }
0xb6: {  	_ =	sfence  }
0xb7: {  	s30 =	sld [smem:$0x0];
	_ =	sdelay $0x2  }
0xb8: {  	s31 =	sshll.u32 s1, $0xD;
	s1 =	sshrl.u32 s1, $0x2  }
0xb9: {  	s3 =	sand.u32 $0x4000, s31;
	s1 =	sadd.s32 s1, s30  }
0xba: {  	s0 =	sor.u32 s3, s0;
	s1 =	sshll.u32 s1, $0x11  }
0xbb: {  	s0 =	sor.u32 s1, s0  }
0xbc: {  	s0 =	sadd.s32 $0x8F2B, s0  }
0xbd: {  	[sflag:s0] =	ssyncadd.remote.s32 $0x1  }
0xbe: {  	_ =	sfence.sel $0xFFFF  }
0xbf: {  	[dreg:$0x0] =	wrdreg $0xFFFFFFFF;
	(pc) =	sbr.abs _section_cstart, $3  }
0xc0: {  	[dreg:$0x1] =	wrdreg $0xFFFFFFFF  }
0xc1: {  	_ =	task.clear_ibuf [dreg:s7], $0x2FFFF;
	_ =	strace $0x9FFFFFFF  }
0xc2: {  	(tm) =	ssettm $0x7FFFFFFF  }
0xc3: {  	_ =	shalt  }
tec
execute0_lowered:
.L_overlay_start_1:
0x0: {  	(tag) =	ssettag $0x1  }
0x1: {  	s0 =	rddreg [dreg:$0x0];
	s1 =	srdreg.scid  }
0x2: {  	s3 =	stileid.u32;
	s2 =	rddreg [dreg:$0x1]  }
0x3: {  	s8 =	simm.s32 $0x7;
	s9 =	simm.s32 $0x80;
	s11 =	simm.s32 $0x48  }
0x4: {  	s20 =	simm.s32 $0xE800;
	s21 =	simm.s32 $0xFA00;
	s22 =	simm.s32 $0x11A00  }
0x5: {  	s23 =	simm.s32 $0x1;
	s24 =	simm.s32 $0x12C00;
	s25 =	simm.s32 $0x2  }
0x6: {  	s28 =	simm.s32 $0x3;
	s29 =	simm.s32 $0x5;
	s30 =	simm.s32 $0x4  }
0x7: {  	s31 =	simm.s32 $0x6;
	s1 =	sand.u32 $0x1, s1;
	s4 =	sshll.u32 s3, $0x1  }
0x8: {  	s3 =	simm.s32 $0x0;
	s5 =	sor.u32 s1, s4;
	s1 =	ssub.s32 $0x2, s1  }
0x9: {  	v0 =	vlaneseq.u32;
	[smem:$0x7FF] =	sst s3;
	s4 =	smul.u32 $0xC80, s5;
	s6 =	sshrl.u32 s1, $0x1  }
0xa: {  	v0 =	vmul.u32 $0xC8, v0;
	_ =	strace $0x80000047;
	s5 =	sshll.u32 s5, $0x7;
	s26 =	ssub.s32 s1, s6  }
0xb: {  	s1 =	simm.s32 $0x0;
	s7 =	sadd.s32 s4, s0;
	s4 =	sadd.s32 $0xF42E00, s0  }
0xc: {  	v1 =	vadd.s32 $0xC80, v0;
	v2 =	vadd.s32 $0x1900, v0;
	v3 =	vadd.s32 $0x2580, v0;
	s6 =	sadd.s32 $0xA00, s7;
	s7 =	smax.u32 s26, $0x1;
	s26 =	simm.s32 $0x15E00  }
.LBB2_1:
0xd: {  	[tilespmem:s3], [sflag:$0x7] =	stream.linear.gather [hbm4b:s6+s3], $0x6400, $0x38;
	[tilespmem:$0x19000] =	vst v63  }
0xe: {  	_ =	swait.ge [sflag:s8], $0x6400  }
0xf: {  	[sflag:s8] =	ssyncset.done $0x0  }
0x10: {  	s0 =	simm.s32 $0x6400;
	[sflag:s8] =	ssyncadd.s32 $0xFFFF9C00  }
0x11: {  	[tilespmem:s0], [sflag:$0x1] =	stream.indirect.gather [hbm4b:s4+s9], $0x40, s3, s9, $0xb8;
	[tilespmem:$0x19000] =	vst v63  }
0x12: {  	s13 =	simm.s32 $0x8400  }
0x13: {  	[tilespmem:s13], [sflag:$0x1] =	stream.indirect.gather [hbm4b:s4+s11], $0x40, s9, s11, $0xb8;
	[tilespmem:$0x19000] =	vst v63  }
0x14: {  	s14 =	simm.s32 $0xC8;
	s10 =	simm.s32 $0x9600  }
0x15: {  	[tilespmem:s10], [sflag:$0x2] =	stream.indirect.gather [hbm4b:s4+s9], $0x40, s14, s9, $0xb8;
	[tilespmem:$0x19000] =	vst v63  }
0x16: {  	s15 =	simm.s32 $0x148;
	s16 =	simm.s32 $0xB600  }
0x17: {  	[tilespmem:s16], [sflag:$0x2] =	stream.indirect.gather [hbm4b:s4+s11], $0x40, s15, s11, $0xb8;
	[tilespmem:$0x19000] =	vst v63  }
0x18: {  	s17 =	simm.s32 $0x190;
	s18 =	simm.s32 $0xC800  }
0x19: {  	[tilespmem:s18], [sflag:$0x3] =	stream.indirect.gather [hbm4b:s4+s9], $0x40, s17, s9, $0xb8;
	[tilespmem:$0x19000] =	vst v63  }
0x1a: {  	s19 =	simm.s32 $0x210;
	s0 =	simm.s32 $0x0  }
0x1b: {  	[tilespmem:s20], [sflag:$0x3] =	stream.indirect.gather [hbm4b:s4+s11], $0x40, s19, s11, $0xb8;
	[tilespmem:$0x19000] =	vst v63  }
.LBB2_2:
0x1c: {  	s10 =	sshllo.u32 s0, $0x2  }
0x1d: {  	s12 =	smul.u32 $0x320, s10;
	_ =	sdelay $0x1  }
0x1e: {  	s12 =	sshra.s32 s12, $0x2  }
0x1f: {  	[tilespmem:s21], [sflag:$0x4] =	stream.indirect.gather [hbm4b:s4+s9], $0x40, s12, s9, $0xb8;
	[tilespmem:$0x19000] =	vst v63  }
0x20: {  	s12 =	sadd.s32 $0x80, s12  }
0x21: {  	[tilespmem:s22], [sflag:$0x4] =	stream.indirect.gather [hbm4b:s4+s11], $0x40, s12, s11, $0xb8;
	[tilespmem:$0x19000] =	vst v63  }
0x22: {  	_ =	swait.ge [sflag:s23], $0x2000  }
0x23: {  	[sflag:s23] =	ssyncset.done $0x0  }
0x24: {  	[sflag:s23] =	ssyncadd.s32 $0xFFFFE000  }
0x25: {  	_ =	swait.ge [sflag:s23], $0x1200  }
0x26: {  	p1 =	seq.s32 s0, $0x0;
	[sflag:s23] =	ssyncset.done $0x0  }
0x27: {  	s12 =	simm.s32 @!p1 $0x5;
	[sflag:s23] =	ssyncadd.s32 $0xFFFFEE00  }
0x28: {  	s13 =	simm.s32 $0x3;
	_ =	swait.ge @!p1 [sflag:s12], $0x3200  }
0x29: {  	s19 =	simm.s32 $0x0;
	v4 =	vmov s13;
	[sflag:s12] =	ssyncset.done @!p1 $0x0  }
0x2a: {  	s14 =	simm.s32 $0x6480;
	s13 =	simm.s32 $0x1;
	v5 =	vand.u32 $0xFF, v4;
	v4 =	vmov s19;
	[sflag:s12] =	ssyncadd.s32 @!p1 $0xFFFFCE00  }
0x2b: {  	v8 =	vadd.s32 v0, v5;
	v6 =	vand.u32 $0xFC, v4;
	v4 =	vmov s13;
	v7 =	vld [tilespmem:s14+$0x40]  }
0x2c: {  	v10 =	vadd.s32 v0, v6;
	v11 =	vand.u32 $0xFD, v4;
	v9 =	vld [tilespmem:s14+$0xFFFFFF80]  }
0x2d: {  	s15 =	simm.s32 $0x2;
	v12 =	vadd.s32 v0, v11;
	v4 =	vld [tilespmem:s14+$0xFFFFFFC0]  }
0x2e: {  	v13 =	vmov s15  }
0x2f: {  	v13 =	vand.u32 $0xFE, v13  }
0x30: {  	v15 =	vadd.s32 v0, v13;
	v14 =	vld [tilespmem:s14+$0x0];
	[tilespmem:v8+s24+$0x0] =	vst.idx.msk $0xffff, v7  }
0x31: {  	v8 =	vadd.s32 v1, v5;
	[tilespmem:v10+s24+$0x0] =	vst.idx.msk $0xffff, v9;
	v7 =	vld [tilespmem:s14+$0x50]  }
0x32: {  	v10 =	vadd.s32 v1, v6;
	[tilespmem:v12+s24+$0x0] =	vst.idx.msk $0xffff, v4;
	v9 =	vld [tilespmem:s14+$0xFFFFFF90]  }
0x33: {  	v12 =	vadd.s32 v1, v11;
	v4 =	vld [tilespmem:s14+$0xFFFFFFD0];
	_ =	sdelay $0x1  }
0x34: {  	[tilespmem:v15+s24+$0x0] =	vst.idx.msk $0xffff, v14  }
0x35: {  	v16 =	vadd.s32 v1, v13;
	v15 =	vld [tilespmem:s14+$0x10];
	[tilespmem:v8+s24+$0x0] =	vst.idx.msk $0xffff, v7  }
0x36: {  	s16 =	simm.s32 $0x7;
	v14 =	vadd.s32 v2, v5;
	[tilespmem:v10+s24+$0x0] =	vst.idx.msk $0xffff, v9;
	v7 =	vld [tilespmem:s14+$0x60]  }
0x37: {  	v10 =	vadd.s32 v2, v6;
	v8 =	vmov s16;
	[tilespmem:v12+s24+$0x0] =	vst.idx.msk $0xffff, v4;
	v9 =	vld [tilespmem:s14+$0xFFFFFFA0]  }
0x38: {  	v17 =	vadd.s32 v2, v11;
	s12 =	simm.s32 $0x6580;
	v8 =	vand.u32 $0xFF, v8;
	v12 =	vld [tilespmem:s14+$0xFFFFFFE0]  }
0x39: {  	s17 =	simm.s32 $0x4;
	v18 =	vld [tilespmem:s12+$0x40];
	v19 =	vadd.s32 v0, v8  }
0x3a: {  	s18 =	simm.s32 $0x5;
	v4 =	vmov s17;
	[tilespmem:v16+s24+$0x0] =	vst.idx.msk $0xffff, v15  }
0x3b: {  	v22 =	vmov s18;
	v4 =	vand.u32 $0xFC, v4;
	[tilespmem:v14+s24+$0x0] =	vst.idx.msk $0xffff, v7  }
0x3c: {  	s19 =	simm.s32 $0x6;
	v20 =	vld [tilespmem:s12+$0xFFFFFF80];
	v21 =	vadd.s32 v0, v4;
	v7 =	vand.u32 $0xFD, v22;
	[tilespmem:v10+s24+$0x0] =	vst.idx.msk $0xffff, v9  }
0x3d: {  	v14 =	vmov s19;
	v9 =	vld [tilespmem:s12+$0xFFFFFFC0];
	[tilespmem:v17+s24+$0x0] =	vst.idx.msk $0xffff, v12;
	v10 =	vadd.s32 v0, v7  }
0x3e: {  	v16 =	vadd.s32 v3, v5;
	v12 =	vld [tilespmem:s14+$0x20];
	v5 =	vand.u32 $0xFE, v14;
	[tilespmem:v19+s24+$0x0] =	vst.idx.msk $0xffff, v18;
	v18 =	vadd.s32 v2, v13  }
0x3f: {  	v14 =	vld [tilespmem:s12+$0x0];
	v63 =	vadd.s32 v0, v5  }
0x40: {  	v15 =	vld [tilespmem:s14+$0x70]  }
0x41: {  	[tilespmem:v21+s24+$0x0] =	vst.idx.msk $0xffff, v20;
	v20 =	vadd.s32 v1, v8;
	v19 =	vld [tilespmem:s12+$0x50]  }
0x42: {  	v23 =	vadd.s32 v1, v4;
	v21 =	vld [tilespmem:s12+$0xFFFFFF90];
	[tilespmem:v10+s24+$0x0] =	vst.idx.msk $0xffff, v9  }
0x43: {  	v25 =	vadd.s32 v3, v11;
	v24 =	vld [tilespmem:s14+$0xFFFFFFF0];
	[tilespmem:v18+s24+$0x0] =	vst.idx.msk $0xffff, v12  }
0x44: {  	v18 =	vadd.s32 v1, v7;
	v17 =	vld [tilespmem:s12+$0xFFFFFFD0];
	[tilespmem:v63+s24+$0x0] =	vst.idx.msk $0xffff, v14  }
0x45: {  	[tilespmem:v16+s24+$0x0] =	vst.idx.msk $0xffff, v15;
	v16 =	vadd.s32 v1, v5;
	v14 =	vld [tilespmem:s12+$0x10]  }
0x46: {  	v15 =	vadd.s32 v3, v13;
	[tilespmem:v20+s24+$0x0] =	vst.idx.msk $0xffff, v19;
	v10 =	vld [tilespmem:s14+$0x30]  }
0x47: {  	s15 =	simm.s32 $0x8;
	v12 =	vadd.s32 v2, v8;
	[tilespmem:v23+s24+$0x0] =	vst.idx.msk $0xffff, v21;
	v9 =	vld [tilespmem:s12+$0x60]  }
0x48: {  	s13 =	sshll.u32 s0, $0x2;
	s17 =	simm.s32 $0xB;
	s16 =	simm.s32 $0xC;
	v13 =	vadd.s32 v2, v4;
	[tilespmem:v25+s24+$0x0] =	vst.idx.msk $0xffff, v24;
	v11 =	vld [tilespmem:s12+$0xFFFFFFA0]  }
.LBB2_3:
0x49: {  	p0 =	slt.u32 s16, $0xC4;
	v19 =	vmov s17;
	[tilespmem:v18+s24+$0x0] =	vst.idx.msk $0xffff, v17;
	v17 =	vld [tilespmem:s14+$0xFFFFFFB0];
	v18 =	vadd.s32 v3, v6;
	v6 =	vmov v4;
	s14 =	smov.u32 s12  }
0x4a: {  	v4 =	vmov s15;
	v21 =	vadd.s32 v2, v7;
	s12 =	sadd.s32 $0x100, s12;
	v19 =	vand.u32 $0xFF, v19;
	v20 =	vld [tilespmem:s14+$0xFFFFFFE0];
	[tilespmem:v16+s24+$0x0] =	vst.idx.msk $0xffff, v14  }
0x4b: {  	s17 =	sadd.s32 $0x1, s15;
	v4 =	vand.u32 $0xFC, v4;
	v14 =	vld [tilespmem:s12+$0x40];
	v16 =	vadd.s32 v0, v19;
	[tilespmem:v15+s24+$0x0] =	vst.idx.msk $0xffff, v10  }
0x4c: {  	v22 =	vmov s17;
	s17 =	sadd.s32 $0x2, s15;
	s15 =	smov.u32 s16;
	v15 =	vadd.s32 v0, v4;
	v10 =	vld [tilespmem:s12+$0xFFFFFF80];
	[tilespmem:v12+s24+$0x0] =	vst.idx.msk $0xffff, v9  }
0x4d: {  	v9 =	vand.u32 $0xFD, v22;
	v12 =	vmov s17;
	[tilespmem:v13+s24+$0x0] =	vst.idx.msk $0xffff, v11;
	v11 =	vld [tilespmem:s14+$0x70];
	v13 =	vadd.s32 v3, v8;
	v8 =	vmovc v19  }
0x4e: {  	v22 =	vadd.s32 v0, v9;
	v12 =	vand.u32 $0xFE, v12;
	v19 =	vld [tilespmem:s12+$0xFFFFFFC0];
	[tilespmem:v18+s24+$0x0] =	vst.idx.msk $0xffff, v17  }
0x4f: {  	v24 =	vadd.s32 v0, v12;
	v23 =	vld [tilespmem:s12+$0x0];
	[tilespmem:v21+s24+$0x0] =	vst.idx.msk $0xffff, v20  }
0x50: {  	v21 =	vadd.s32 v2, v5;
	[tilespmem:v16+s24+$0x0] =	vst.idx.msk $0xffff, v14;
	v20 =	vld [tilespmem:s14+$0x20]  }
0x51: {  	[tilespmem:v15+s24+$0x0] =	vst.idx.msk $0xffff, v10;
	v10 =	vld [tilespmem:s12+$0x50];
	v15 =	vadd.s32 v1, v8  }
0x52: {  	v26 =	vadd.s32 v1, v4;
	v25 =	vld [tilespmem:s12+$0xFFFFFF90];
	[tilespmem:v13+s24+$0x0] =	vst.idx.msk $0xffff, v11  }
0x53: {  	[tilespmem:v22+s24+$0x0] =	vst.idx.msk $0xffff, v19;
	v19 =	vld [tilespmem:s14+$0xFFFFFFF0];
	v22 =	vadd.s32 v3, v7;
	v7 =	vmov v9  }
.Ltmp0:
0x54: {  	v17 =	vld [tilespmem:s12+$0xFFFFFFD0];
	v18 =	vadd.s32 v1, v7;
	[tilespmem:v24+s24+$0x0] =	vst.idx.msk $0xffff, v23;
	(pc) =	sbr.rel @p0 .LBB2_3-.Ltmp0, $4  }
0x55: {  	v16 =	vadd.s32 v1, v12;
	v14 =	vld [tilespmem:s12+$0x10];
	[tilespmem:v21+s24+$0x0] =	vst.idx.msk $0xffff, v20  }
0x56: {  	[tilespmem:v15+s24+$0x0] =	vst.idx.msk $0xffff, v10;
	v10 =	vld [tilespmem:s14+$0x30];
	v15 =	vadd.s32 v3, v5;
	v5 =	vmov v12  }
0x57: {  	v12 =	vadd.s32 v2, v8;
	[tilespmem:v26+s24+$0x0] =	vst.idx.msk $0xffff, v25;
	v9 =	vld [tilespmem:s12+$0x60]  }
0x58: {  	s16 =	sadd.s32 $0x4, s16;
	s17 =	sadd.s32 $0x3, s15;
	v13 =	vadd.s32 v2, v4;
	v11 =	vld [tilespmem:s12+$0xFFFFFFA0];
	[tilespmem:v22+s24+$0x0] =	vst.idx.msk $0xffff, v19  }
0x59: {  	_ =	sdelay $0x2  }
0x5a: {  	v19 =	vmov s17;
	s16 =	sadd.s32 $0x1, s15  }
0x5b: {  	[tilespmem:v18+s24+$0x0] =	vst.idx.msk $0xffff, v17;
	v17 =	vld [tilespmem:s14+$0xFFFFFFB0];
	v6 =	vadd.s32 v3, v6;
	s18 =	sadd.s32 $0x100, s12;
	s19 =	sadd.s32 $0x2, s15;
	v18 =	vand.u32 $0xFF, v19;
	v19 =	vmov s16  }
0x5c: {  	[tilespmem:v16+s24+$0x0] =	vst.idx.msk $0xffff, v14;
	v14 =	vld [tilespmem:s18+$0x40];
	v20 =	vmov s19;
	v16 =	vadd.s32 v0, v18;
	v19 =	vand.u32 $0xFD, v19  }
0x5d: {  	v21 =	vmov s15;
	[tilespmem:v15+s24+$0x0] =	vst.idx.msk $0xffff, v10;
	v10 =	vld [tilespmem:s18+$0xFFFFFFC0];
	v20 =	vand.u32 $0xFE, v20;
	v15 =	vadd.s32 v0, v19  }
0x5e: {  	v21 =	vand.u32 $0xFC, v21;
	[tilespmem:v12+s24+$0x0] =	vst.idx.msk $0xffff, v9;
	v9 =	vld [tilespmem:s18+$0x0];
	v12 =	vadd.s32 v0, v20  }
0x5f: {  	v22 =	vld [tilespmem:s18+$0xFFFFFF80];
	[tilespmem:v13+s24+$0x0] =	vst.idx.msk $0xffff, v11;
	v11 =	vadd.s32 v0, v21  }
0x60: {  	v13 =	vld [tilespmem:s12+$0xFFFFFFE0];
	[tilespmem:v6+s24+$0x0] =	vst.idx.msk $0xffff, v17;
	v6 =	vadd.s32 v2, v7  }
0x61: {  	v8 =	vadd.s32 v3, v8;
	v17 =	vld [tilespmem:s12+$0x70];
	[tilespmem:v16+s24+$0x0] =	vst.idx.msk $0xffff, v14  }
0x62: {  	v16 =	vadd.s32 v1, v18;
	v14 =	vld [tilespmem:s18+$0x50];
	[tilespmem:v15+s24+$0x0] =	vst.idx.msk $0xffff, v10  }
0x63: {  	v15 =	vadd.s32 v1, v19;
	[tilespmem:v12+s24+$0x0] =	vst.idx.msk $0xffff, v9;
	v10 =	vld [tilespmem:s18+$0xFFFFFFD0]  }
0x64: {  	[tilespmem:v11+s24+$0x0] =	vst.idx.msk $0xffff, v22;
	v9 =	vld [tilespmem:s18+$0x10];
	v11 =	vadd.s32 v1, v20  }
0x65: {  	v12 =	vadd.s32 v1, v21;
	[tilespmem:v6+s24+$0x0] =	vst.idx.msk $0xffff, v13;
	v6 =	vld [tilespmem:s18+$0xFFFFFF90]  }
0x66: {  	v60 =	vadd.s32 v2, v5;
	v13 =	vld [tilespmem:s12+$0x20];
	[tilespmem:v8+s24+$0x0] =	vst.idx.msk $0xffff, v17  }
0x67: {  	v7 =	vadd.s32 v3, v7;
	v8 =	vld [tilespmem:s12+$0xFFFFFFF0];
	[tilespmem:v16+s24+$0x0] =	vst.idx.msk $0xffff, v14  }
0x68: {  	v16 =	vadd.s32 v2, v18;
	v14 =	vld [tilespmem:s18+$0x60];
	[tilespmem:v15+s24+$0x0] =	vst.idx.msk $0xffff, v10  }
0x69: {  	v15 =	vadd.s32 v2, v19;
	[tilespmem:v11+s24+$0x0] =	vst.idx.msk $0xffff, v9;
	v10 =	vld [tilespmem:s18+$0xFFFFFFE0]  }
0x6a: {  	v9 =	vadd.s32 v2, v20;
	[tilespmem:v12+s24+$0x0] =	vst.idx.msk $0xffff, v6;
	v6 =	vld [tilespmem:s18+$0x20]  }
0x6b: {  	[tilespmem:v60+s24+$0x0] =	vst.idx.msk $0xffff, v13;
	v12 =	vadd.s32 v2, v21;
	v11 =	vld [tilespmem:s18+$0xFFFFFFA0]  }
0x6c: {  	v5 =	vadd.s32 v3, v5;
	v13 =	vld [tilespmem:s12+$0x30];
	[tilespmem:v7+s24+$0x0] =	vst.idx.msk $0xffff, v8  }
0x6d: {  	v4 =	vadd.s32 v3, v4;
	v7 =	vld [tilespmem:s12+$0xFFFFFFB0];
	[tilespmem:v16+s24+$0x0] =	vst.idx.msk $0xffff, v14  }
0x6e: {  	v14 =	vadd.s32 v3, v18;
	v8 =	vld [tilespmem:s18+$0x70];
	[tilespmem:v15+s24+$0x0] =	vst.idx.msk $0xffff, v10  }
0x6f: {  	v15 =	vadd.s32 v3, v19;
	[tilespmem:v9+s24+$0x0] =	vst.idx.msk $0xffff, v6;
	v10 =	vld [tilespmem:s18+$0xFFFFFFF0]  }
0x70: {  	v9 =	vadd.s32 v3, v20;
	[tilespmem:v12+s24+$0x0] =	vst.idx.msk $0xffff, v11;
	v6 =	vld [tilespmem:s18+$0x30]  }
0x71: {  	[tilespmem:v5+s24+$0x0] =	vst.idx.msk $0xffff, v13;
	v11 =	vadd.s32 v3, v21;
	v5 =	vld [tilespmem:s18+$0xFFFFFFB0]  }
0x72: {  	[tilespmem:v4+s24+$0x0] =	vst.idx.msk $0xffff, v7  }
0x73: {  	s15 =	sadd.s32 s5, s13;
	[tilespmem:v14+s24+$0x0] =	vst.idx.msk $0xffff, v8  }
0x74: {  	s12 =	smul.u32 $0x640, s15;
	[tilespmem:v15+s24+$0x0] =	vst.idx.msk $0xffff, v10  }
0x75: {  	p0 =	seq.s32 s0, $0x1F;
	[tilespmem:v9+s24+$0x0] =	vst.idx.msk $0xffff, v6  }
0x76: {  	s14 =	smul.u32 @!p0 $0xC80, s0;
	s12 =	sadd.s32 s2, s12;
	[tilespmem:v11+s24+$0x0] =	vst.idx.msk $0xffff, v5  }
0x77: {  	[hbm4b:s12+s3] =	stream.linear.scatter [tilespmem:s24], [sflag:$0x5], $0x3200, $0x38;
	[tilespmem:$0x19000] =	vst v63  }
0x78: {  	s12 =	sshra.s32 @!p0 s14, $0x2  }
0x79: {  	s16 =	simm.s32 @!p0 $0x6400;
	s15 =	simm.s32 @!p0 $0x80;
	s14 =	sadd.s32 @!p0 $0x320, s12  }
0x7a: {  	[tilespmem:s16], [sflag:$0x1] =	stream.indirect.gather @!p0 [hbm4b:s4+s15], $0x40, s14, s15, $0xb8;
	[tilespmem:$0x19000] =	vst v63  }
0x7b: {  	s14 =	sadd.s32 @!p0 $0x3A0, s12;
	s15 =	simm.s32 @!p0 $0x48;
	s16 =	simm.s32 @!p0 $0x8400  }
0x7c: {  	[tilespmem:s16], [sflag:$0x1] =	stream.indirect.gather @!p0 [hbm4b:s4+s15], $0x40, s14, s15, $0xb8;
	[tilespmem:$0x19000] =	vst v63  }
0x7d: {  	_ =	swait.ge [sflag:s25], $0x2000  }
0x7e: {  	[sflag:s25] =	ssyncset.done $0x0  }
0x7f: {  	[sflag:s25] =	ssyncadd.s32 $0xFFFFE000  }
0x80: {  	_ =	swait.ge [sflag:s25], $0x1200  }
0x81: {  	[sflag:s25] =	ssyncset.done $0x0  }
0x82: {  	s14 =	simm.s32 @!p1 $0x6;
	[sflag:s25] =	ssyncadd.s32 $0xFFFFEE00  }
0x83: {  	s16 =	simm.s32 $0x3;
	_ =	swait.ge @!p1 [sflag:s14], $0x3200  }
0x84: {  	s17 =	simm.s32 $0x0;
	v4 =	vmov s16;
	[sflag:s14] =	ssyncset.done @!p1 $0x0  }
0x85: {  	s18 =	simm.s32 $0x1;
	s15 =	simm.s32 $0x96F0;
	v5 =	vand.u32 $0xFF, v4;
	v4 =	vmov s17;
	[sflag:s14] =	ssyncadd.s32 @!p1 $0xFFFFCE00  }
0x86: {  	v8 =	vadd.s32 v0, v5;
	v6 =	vand.u32 $0xFC, v4;
	v4 =	vmov s18;
	v7 =	vld [tilespmem:s15+$0xFFFFFFD0]  }
0x87: {  	v10 =	vadd.s32 v0, v6;
	v11 =	vand.u32 $0xFD, v4;
	v9 =	vld [tilespmem:s15+$0xFFFFFF10]  }
0x88: {  	s19 =	simm.s32 $0x2;
	v12 =	vadd.s32 v0, v11;
	v4 =	vld [tilespmem:s15+$0xFFFFFF50]  }
0x89: {  	v13 =	vmov s19  }
0x8a: {  	v13 =	vand.u32 $0xFE, v13  }
0x8b: {  	v15 =	vadd.s32 v0, v13;
	v14 =	vld [tilespmem:s15+$0xFFFFFF90];
	[tilespmem:v8+s26+$0x0] =	vst.idx.msk $0xffff, v7  }
0x8c: {  	v8 =	vadd.s32 v1, v5;
	[tilespmem:v10+s26+$0x0] =	vst.idx.msk $0xffff, v9;
	v7 =	vld [tilespmem:s15+$0xFFFFFFE0]  }
0x8d: {  	v10 =	vadd.s32 v1, v6;
	[tilespmem:v12+s26+$0x0] =	vst.idx.msk $0xffff, v4;
	v9 =	vld [tilespmem:s15+$0xFFFFFF20]  }
0x8e: {  	v12 =	vadd.s32 v1, v11;
	v4 =	vld [tilespmem:s15+$0xFFFFFF60];
	_ =	sdelay $0x1  }
0x8f: {  	[tilespmem:v15+s26+$0x0] =	vst.idx.msk $0xffff, v14  }
0x90: {  	v16 =	vadd.s32 v1, v13;
	v15 =	vld [tilespmem:s15+$0xFFFFFFA0];
	[tilespmem:v8+s26+$0x0] =	vst.idx.msk $0xffff, v7  }
0x91: {  	s16 =	simm.s32 $0x7;
	v14 =	vadd.s32 v2, v5;
	[tilespmem:v10+s26+$0x0] =	vst.idx.msk $0xffff, v9;
	v7 =	vld [tilespmem:s15+$0xFFFFFFF0]  }
0x92: {  	v10 =	vadd.s32 v2, v6;
	v8 =	vmov s16;
	[tilespmem:v12+s26+$0x0] =	vst.idx.msk $0xffff, v4;
	v9 =	vld [tilespmem:s15+$0xFFFFFF30]  }
0x93: {  	v17 =	vadd.s32 v2, v11;
	s14 =	simm.s32 $0x97F0;
	v8 =	vand.u32 $0xFF, v8;
	v12 =	vld [tilespmem:s15+$0xFFFFFF70]  }
0x94: {  	s17 =	simm.s32 $0x4;
	v18 =	vld [tilespmem:s14+$0xFFFFFFD0];
	v19 =	vadd.s32 v0, v8  }
0x95: {  	s18 =	simm.s32 $0x5;
	v4 =	vmov s17;
	[tilespmem:v16+s26+$0x0] =	vst.idx.msk $0xffff, v15  }
0x96: {  	v62 =	vmov s18;
	v4 =	vand.u32 $0xFC, v4;
	[tilespmem:v14+s26+$0x0] =	vst.idx.msk $0xffff, v7  }
0x97: {  	s19 =	simm.s32 $0x6;
	v20 =	vld [tilespmem:s14+$0xFFFFFF10];
	v61 =	vadd.s32 v0, v4;
	v7 =	vand.u32 $0xFD, v62;
	[tilespmem:v10+s26+$0x0] =	vst.idx.msk $0xffff, v9  }
0x98: {  	v14 =	vmov s19;
	v9 =	vld [tilespmem:s14+$0xFFFFFF50];
	[tilespmem:v17+s26+$0x0] =	vst.idx.msk $0xffff, v12;
	v10 =	vadd.s32 v0, v7  }
0x99: {  	v16 =	vadd.s32 v3, v5;
	v12 =	vld [tilespmem:s15+$0xFFFFFFB0];
	v5 =	vand.u32 $0xFE, v14;
	[tilespmem:v19+s26+$0x0] =	vst.idx.msk $0xffff, v18;
	v18 =	vadd.s32 v2, v13  }
0x9a: {  	v14 =	vld [tilespmem:s14+$0xFFFFFF90];
	v63 =	vadd.s32 v0, v5  }
0x9b: {  	v15 =	vld [tilespmem:s15+$0x0]  }
0x9c: {  	[tilespmem:v61+s26+$0x0] =	vst.idx.msk $0xffff, v20;
	v20 =	vadd.s32 v1, v8;
	v19 =	vld [tilespmem:s14+$0xFFFFFFE0]  }
0x9d: {  	v23 =	vadd.s32 v1, v4;
	v21 =	vld [tilespmem:s14+$0xFFFFFF20];
	[tilespmem:v10+s26+$0x0] =	vst.idx.msk $0xffff, v9  }
0x9e: {  	v25 =	vadd.s32 v3, v11;
	v24 =	vld [tilespmem:s15+$0xFFFFFF80];
	[tilespmem:v18+s26+$0x0] =	vst.idx.msk $0xffff, v12  }
0x9f: {  	v18 =	vadd.s32 v1, v7;
	v17 =	vld [tilespmem:s14+$0xFFFFFF60];
	[tilespmem:v63+s26+$0x0] =	vst.idx.msk $0xffff, v14  }
0xa0: {  	[tilespmem:v16+s26+$0x0] =	vst.idx.msk $0xffff, v15;
	v16 =	vadd.s32 v1, v5;
	v14 =	vld [tilespmem:s14+$0xFFFFFFA0]  }
0xa1: {  	v15 =	vadd.s32 v3, v13;
	[tilespmem:v20+s26+$0x0] =	vst.idx.msk $0xffff, v19;
	v10 =	vld [tilespmem:s15+$0xFFFFFFC0]  }
0xa2: {  	s18 =	simm.s32 $0xC;
	v12 =	vadd.s32 v2, v8;
	[tilespmem:v23+s26+$0x0] =	vst.idx.msk $0xffff, v21;
	v9 =	vld [tilespmem:s14+$0xFFFFFFF0]  }
0xa3: {  	s16 =	sor.u32 $0x1, s13;
	s17 =	simm.s32 $0x8;
	s19 =	simm.s32 $0xB;
	v13 =	vadd.s32 v2, v4;
	[tilespmem:v25+s26+$0x0] =	vst.idx.msk $0xffff, v24;
	v11 =	vld [tilespmem:s14+$0xFFFFFF30]  }
.LBB2_5:
0xa4: {  	p1 =	slt.u32 s18, $0xC4;
	v19 =	vmov s19;
	[tilespmem:v18+s26+$0x0] =	vst.idx.msk $0xffff, v17;
	v17 =	vld [tilespmem:s15+$0xFFFFFF40];
	v18 =	vadd.s32 v3, v6;
	v6 =	vmov v4;
	s15 =	smov.u32 s14  }
0xa5: {  	v4 =	vmov s17;
	v21 =	vadd.s32 v2, v7;
	s14 =	sadd.s32 $0x100, s14;
	v19 =	vand.u32 $0xFF, v19;
	v20 =	vld [tilespmem:s15+$0xFFFFFF70];
	[tilespmem:v16+s26+$0x0] =	vst.idx.msk $0xffff, v14  }
0xa6: {  	s19 =	sadd.s32 $0x1, s17;
	v4 =	vand.u32 $0xFC, v4;
	v14 =	vld [tilespmem:s14+$0xFFFFFFD0];
	v16 =	vadd.s32 v0, v19;
	[tilespmem:v15+s26+$0x0] =	vst.idx.msk $0xffff, v10  }
0xa7: {  	v22 =	vmov s19;
	s19 =	sadd.s32 $0x2, s17;
	s17 =	smov.u32 s18;
	v15 =	vadd.s32 v0, v4;
	v10 =	vld [tilespmem:s14+$0xFFFFFF10];
	[tilespmem:v12+s26+$0x0] =	vst.idx.msk $0xffff, v9  }
0xa8: {  	v9 =	vand.u32 $0xFD, v22;
	v12 =	vmov s19;
	[tilespmem:v13+s26+$0x0] =	vst.idx.msk $0xffff, v11;
	v11 =	vld [tilespmem:s15+$0x0];
	v13 =	vadd.s32 v3, v8;
	v8 =	vmovc v19  }
0xa9: {  	v22 =	vadd.s32 v0, v9;
	v12 =	vand.u32 $0xFE, v12;
	v19 =	vld [tilespmem:s14+$0xFFFFFF50];
	[tilespmem:v18+s26+$0x0] =	vst.idx.msk $0xffff, v17  }
0xaa: {  	v24 =	vadd.s32 v0, v12;
	v23 =	vld [tilespmem:s14+$0xFFFFFF90];
	[tilespmem:v21+s26+$0x0] =	vst.idx.msk $0xffff, v20  }
0xab: {  	v21 =	vadd.s32 v2, v5;
	[tilespmem:v16+s26+$0x0] =	vst.idx.msk $0xffff, v14;
	v20 =	vld [tilespmem:s15+$0xFFFFFFB0]  }
0xac: {  	[tilespmem:v15+s26+$0x0] =	vst.idx.msk $0xffff, v10;
	v10 =	vld [tilespmem:s14+$0xFFFFFFE0];
	v15 =	vadd.s32 v1, v8  }
0xad: {  	v26 =	vadd.s32 v1, v4;
	v25 =	vld [tilespmem:s14+$0xFFFFFF20];
	[tilespmem:v13+s26+$0x0] =	vst.idx.msk $0xffff, v11  }
0xae: {  	[tilespmem:v22+s26+$0x0] =	vst.idx.msk $0xffff, v19;
	v19 =	vld [tilespmem:s15+$0xFFFFFF80];
	v22 =	vadd.s32 v3, v7;
	v7 =	vmov v9  }
.Ltmp1:
0xaf: {  	v17 =	vld [tilespmem:s14+$0xFFFFFF60];
	v18 =	vadd.s32 v1, v7;
	[tilespmem:v24+s26+$0x0] =	vst.idx.msk $0xffff, v23;
	(pc) =	sbr.rel @p1 .LBB2_5-.Ltmp1, $4  }
0xb0: {  	v16 =	vadd.s32 v1, v12;
	v14 =	vld [tilespmem:s14+$0xFFFFFFA0];
	[tilespmem:v21+s26+$0x0] =	vst.idx.msk $0xffff, v20  }
0xb1: {  	[tilespmem:v15+s26+$0x0] =	vst.idx.msk $0xffff, v10;
	v10 =	vld [tilespmem:s15+$0xFFFFFFC0];
	v15 =	vadd.s32 v3, v5;
	v5 =	vmov v12  }
0xb2: {  	v12 =	vadd.s32 v2, v8;
	[tilespmem:v26+s26+$0x0] =	vst.idx.msk $0xffff, v25;
	v9 =	vld [tilespmem:s14+$0xFFFFFFF0]  }
0xb3: {  	s18 =	sadd.s32 $0x4, s18;
	s19 =	sadd.s32 $0x3, s17;
	v13 =	vadd.s32 v2, v4;
	v11 =	vld [tilespmem:s14+$0xFFFFFF30];
	[tilespmem:v22+s26+$0x0] =	vst.idx.msk $0xffff, v19  }
0xb4: {  	_ =	sdelay $0x2  }
0xb5: {  	v19 =	vmov s19;
	s18 =	sadd.s32 $0x1, s17  }
0xb6: {  	[tilespmem:v18+s26+$0x0] =	vst.idx.msk $0xffff, v17;
	v17 =	vld [tilespmem:s15+$0xFFFFFF40];
	v6 =	vadd.s32 v3, v6;
	s15 =	sadd.s32 $0x100, s14;
	s19 =	sadd.s32 $0x2, s17;
	v18 =	vand.u32 $0xFF, v19;
	v19 =	vmov s18  }
0xb7: {  	[tilespmem:v16+s26+$0x0] =	vst.idx.msk $0xffff, v14;
	v14 =	vld [tilespmem:s15+$0xFFFFFFD0];
	v20 =	vmov s19;
	v16 =	vadd.s32 v0, v18;
	v19 =	vand.u32 $0xFD, v19  }
0xb8: {  	v21 =	vmov s17;
	[tilespmem:v15+s26+$0x0] =	vst.idx.msk $0xffff, v10;
	v10 =	vld [tilespmem:s15+$0xFFFFFF50];
	v20 =	vand.u32 $0xFE, v20;
	v15 =	vadd.s32 v0, v19  }
0xb9: {  	v21 =	vand.u32 $0xFC, v21;
	[tilespmem:v12+s26+$0x0] =	vst.idx.msk $0xffff, v9;
	v9 =	vld [tilespmem:s15+$0xFFFFFF90];
	v12 =	vadd.s32 v0, v20  }
0xba: {  	v22 =	vld [tilespmem:s15+$0xFFFFFF10];
	[tilespmem:v13+s26+$0x0] =	vst.idx.msk $0xffff, v11;
	v11 =	vadd.s32 v0, v21  }
0xbb: {  	v13 =	vld [tilespmem:s14+$0xFFFFFF70];
	[tilespmem:v6+s26+$0x0] =	vst.idx.msk $0xffff, v17;
	v6 =	vadd.s32 v2, v7  }
0xbc: {  	v8 =	vadd.s32 v3, v8;
	v17 =	vld [tilespmem:s14+$0x0];
	[tilespmem:v16+s26+$0x0] =	vst.idx.msk $0xffff, v14  }
0xbd: {  	v16 =	vadd.s32 v1, v18;
	v14 =	vld [tilespmem:s15+$0xFFFFFFE0];
	[tilespmem:v15+s26+$0x0] =	vst.idx.msk $0xffff, v10  }
0xbe: {  	v15 =	vadd.s32 v1, v19;
	[tilespmem:v12+s26+$0x0] =	vst.idx.msk $0xffff, v9;
	v10 =	vld [tilespmem:s15+$0xFFFFFF60]  }
0xbf: {  	[tilespmem:v11+s26+$0x0] =	vst.idx.msk $0xffff, v22;
	v9 =	vld [tilespmem:s15+$0xFFFFFFA0];
	v11 =	vadd.s32 v1, v20  }
0xc0: {  	v12 =	vadd.s32 v1, v21;
	[tilespmem:v6+s26+$0x0] =	vst.idx.msk $0xffff, v13;
	v6 =	vld [tilespmem:s15+$0xFFFFFF20]  }
0xc1: {  	v60 =	vadd.s32 v2, v5;
	v13 =	vld [tilespmem:s14+$0xFFFFFFB0];
	[tilespmem:v8+s26+$0x0] =	vst.idx.msk $0xffff, v17  }
0xc2: {  	v7 =	vadd.s32 v3, v7;
	v8 =	vld [tilespmem:s14+$0xFFFFFF80];
	[tilespmem:v16+s26+$0x0] =	vst.idx.msk $0xffff, v14  }
0xc3: {  	v16 =	vadd.s32 v2, v18;
	v14 =	vld [tilespmem:s15+$0xFFFFFFF0];
	[tilespmem:v15+s26+$0x0] =	vst.idx.msk $0xffff, v10  }
0xc4: {  	v15 =	vadd.s32 v2, v19;
	[tilespmem:v11+s26+$0x0] =	vst.idx.msk $0xffff, v9;
	v10 =	vld [tilespmem:s15+$0xFFFFFF70]  }
0xc5: {  	v9 =	vadd.s32 v2, v20;
	[tilespmem:v12+s26+$0x0] =	vst.idx.msk $0xffff, v6;
	v6 =	vld [tilespmem:s15+$0xFFFFFFB0]  }
0xc6: {  	[tilespmem:v60+s26+$0x0] =	vst.idx.msk $0xffff, v13;
	v12 =	vadd.s32 v2, v21;
	v11 =	vld [tilespmem:s15+$0xFFFFFF30]  }
0xc7: {  	v5 =	vadd.s32 v3, v5;
	v13 =	vld [tilespmem:s14+$0xFFFFFFC0];
	[tilespmem:v7+s26+$0x0] =	vst.idx.msk $0xffff, v8  }
0xc8: {  	v4 =	vadd.s32 v3, v4;
	v7 =	vld [tilespmem:s14+$0xFFFFFF40];
	[tilespmem:v16+s26+$0x0] =	vst.idx.msk $0xffff, v14  }
0xc9: {  	v14 =	vadd.s32 v3, v18;
	v8 =	vld [tilespmem:s15+$0x0];
	[tilespmem:v15+s26+$0x0] =	vst.idx.msk $0xffff, v10  }
0xca: {  	v15 =	vadd.s32 v3, v19;
	[tilespmem:v9+s26+$0x0] =	vst.idx.msk $0xffff, v6;
	v10 =	vld [tilespmem:s15+$0xFFFFFF80]  }
0xcb: {  	v9 =	vadd.s32 v3, v20;
	[tilespmem:v12+s26+$0x0] =	vst.idx.msk $0xffff, v11;
	v6 =	vld [tilespmem:s15+$0xFFFFFFC0]  }
0xcc: {  	[tilespmem:v5+s26+$0x0] =	vst.idx.msk $0xffff, v13;
	v11 =	vadd.s32 v3, v21;
	v5 =	vld [tilespmem:s15+$0xFFFFFF40]  }
0xcd: {  	[tilespmem:v4+s26+$0x0] =	vst.idx.msk $0xffff, v7  }
0xce: {  	s15 =	sadd.s32 s5, s16;
	[tilespmem:v14+s26+$0x0] =	vst.idx.msk $0xffff, v8  }
0xcf: {  	s14 =	smul.u32 $0x640, s15;
	[tilespmem:v15+s26+$0x0] =	vst.idx.msk $0xffff, v10  }
0xd0: {  	[tilespmem:v9+s26+$0x0] =	vst.idx.msk $0xffff, v6  }
0xd1: {  	s14 =	sadd.s32 s2, s14;
	[tilespmem:v11+s26+$0x0] =	vst.idx.msk $0xffff, v5  }
0xd2: {  	[hbm4b:s14+s3] =	stream.linear.scatter [tilespmem:s26], [sflag:$0x6], $0x3200, $0x38;
	[tilespmem:$0x19000] =	vst v63  }
0xd3: {  	s16 =	simm.s32 @!p0 $0x9600;
	s15 =	simm.s32 @!p0 $0x80;
	s14 =	sadd.s32 @!p0 $0x3E8, s12  }
0xd4: {  	[tilespmem:s16], [sflag:$0x2] =	stream.indirect.gather @!p0 [hbm4b:s4+s15], $0x40, s14, s15, $0xb8;
	[tilespmem:$0x19000] =	vst v63  }
0xd5: {  	s14 =	sadd.s32 @!p0 $0x468, s12;
	s15 =	simm.s32 @!p0 $0x48;
	s16 =	simm.s32 @!p0 $0xB600  }
0xd6: {  	[tilespmem:s16], [sflag:$0x2] =	stream.indirect.gather @!p0 [hbm4b:s4+s15], $0x40, s14, s15, $0xb8;
	[tilespmem:$0x19000] =	vst v63  }
0xd7: {  	_ =	swait.ge [sflag:s28], $0x2000  }
0xd8: {  	[sflag:s28] =	ssyncset.done $0x0  }
0xd9: {  	[sflag:s28] =	ssyncadd.s32 $0xFFFFE000  }
0xda: {  	_ =	swait.ge [sflag:s28], $0x1200  }
0xdb: {  	[sflag:s28] =	ssyncset.done $0x0  }
0xdc: {  	[sflag:s28] =	ssyncadd.s32 $0xFFFFEE00  }
0xdd: {  	s16 =	simm.s32 $0x3;
	_ =	swait.ge [sflag:s29], $0x3200  }
0xde: {  	s17 =	simm.s32 $0x0;
	v4 =	vmov s16;
	[sflag:s29] =	ssyncset.done $0x0  }
0xdf: {  	s18 =	simm.s32 $0x1;
	s15 =	simm.s32 $0xC8F0;
	v5 =	vand.u32 $0xFF, v4;
	v4 =	vmov s17;
	[sflag:s29] =	ssyncadd.s32 $0xFFFFCE00  }
0xe0: {  	v8 =	vadd.s32 v0, v5;
	v6 =	vand.u32 $0xFC, v4;
	v4 =	vmov s18;
	v7 =	vld [tilespmem:s15+$0xFFFFFFD0]  }
0xe1: {  	v10 =	vadd.s32 v0, v6;
	v11 =	vand.u32 $0xFD, v4;
	v9 =	vld [tilespmem:s15+$0xFFFFFF10]  }
0xe2: {  	s19 =	simm.s32 $0x2;
	v12 =	vadd.s32 v0, v11;
	v4 =	vld [tilespmem:s15+$0xFFFFFF50]  }
0xe3: {  	v13 =	vmov s19  }
0xe4: {  	v13 =	vand.u32 $0xFE, v13  }
0xe5: {  	v15 =	vadd.s32 v0, v13;
	v14 =	vld [tilespmem:s15+$0xFFFFFF90];
	[tilespmem:v8+s24+$0x0] =	vst.idx.msk $0xffff, v7  }
0xe6: {  	v8 =	vadd.s32 v1, v5;
	[tilespmem:v10+s24+$0x0] =	vst.idx.msk $0xffff, v9;
	v7 =	vld [tilespmem:s15+$0xFFFFFFE0]  }
0xe7: {  	v10 =	vadd.s32 v1, v6;
	[tilespmem:v12+s24+$0x0] =	vst.idx.msk $0xffff, v4;
	v9 =	vld [tilespmem:s15+$0xFFFFFF20]  }
0xe8: {  	v12 =	vadd.s32 v1, v11;
	v4 =	vld [tilespmem:s15+$0xFFFFFF60];
	_ =	sdelay $0x1  }
0xe9: {  	[tilespmem:v15+s24+$0x0] =	vst.idx.msk $0xffff, v14  }
0xea: {  	v16 =	vadd.s32 v1, v13;
	v15 =	vld [tilespmem:s15+$0xFFFFFFA0];
	[tilespmem:v8+s24+$0x0] =	vst.idx.msk $0xffff, v7  }
0xeb: {  	s16 =	simm.s32 $0x7;
	v14 =	vadd.s32 v2, v5;
	[tilespmem:v10+s24+$0x0] =	vst.idx.msk $0xffff, v9;
	v7 =	vld [tilespmem:s15+$0xFFFFFFF0]  }
0xec: {  	v10 =	vadd.s32 v2, v6;
	v8 =	vmov s16;
	[tilespmem:v12+s24+$0x0] =	vst.idx.msk $0xffff, v4;
	v9 =	vld [tilespmem:s15+$0xFFFFFF30]  }
0xed: {  	s14 =	simm.s32 $0xC9F0;
	v17 =	vadd.s32 v2, v11;
	v8 =	vand.u32 $0xFF, v8;
	v12 =	vld [tilespmem:s15+$0xFFFFFF70]  }
0xee: {  	s17 =	simm.s32 $0x4;
	v18 =	vld [tilespmem:s14+$0xFFFFFFD0];
	v19 =	vadd.s32 v0, v8  }
0xef: {  	s18 =	simm.s32 $0x5;
	v4 =	vmov s17;
	[tilespmem:v16+s24+$0x0] =	vst.idx.msk $0xffff, v15  }
0xf0: {  	v62 =	vmov s18;
	v4 =	vand.u32 $0xFC, v4;
	[tilespmem:v14+s24+$0x0] =	vst.idx.msk $0xffff, v7  }
0xf1: {  	s19 =	simm.s32 $0x6;
	v20 =	vld [tilespmem:s14+$0xFFFFFF10];
	v61 =	vadd.s32 v0, v4;
	v7 =	vand.u32 $0xFD, v62;
	[tilespmem:v10+s24+$0x0] =	vst.idx.msk $0xffff, v9  }
0xf2: {  	v14 =	vmov s19;
	v9 =	vld [tilespmem:s14+$0xFFFFFF50];
	[tilespmem:v17+s24+$0x0] =	vst.idx.msk $0xffff, v12;
	v10 =	vadd.s32 v0, v7  }
0xf3: {  	v16 =	vadd.s32 v3, v5;
	v12 =	vld [tilespmem:s15+$0xFFFFFFB0];
	v5 =	vand.u32 $0xFE, v14;
	[tilespmem:v19+s24+$0x0] =	vst.idx.msk $0xffff, v18;
	v18 =	vadd.s32 v2, v13  }
0xf4: {  	v14 =	vld [tilespmem:s14+$0xFFFFFF90];
	v63 =	vadd.s32 v0, v5  }
0xf5: {  	v15 =	vld [tilespmem:s15+$0x0]  }
0xf6: {  	[tilespmem:v61+s24+$0x0] =	vst.idx.msk $0xffff, v20;
	v20 =	vadd.s32 v1, v8;
	v19 =	vld [tilespmem:s14+$0xFFFFFFE0]  }
0xf7: {  	v23 =	vadd.s32 v1, v4;
	v21 =	vld [tilespmem:s14+$0xFFFFFF20];
	[tilespmem:v10+s24+$0x0] =	vst.idx.msk $0xffff, v9  }
0xf8: {  	v25 =	vadd.s32 v3, v11;
	v24 =	vld [tilespmem:s15+$0xFFFFFF80];
	[tilespmem:v18+s24+$0x0] =	vst.idx.msk $0xffff, v12  }
0xf9: {  	v18 =	vadd.s32 v1, v7;
	v17 =	vld [tilespmem:s14+$0xFFFFFF60];
	[tilespmem:v63+s24+$0x0] =	vst.idx.msk $0xffff, v14  }
0xfa: {  	[tilespmem:v16+s24+$0x0] =	vst.idx.msk $0xffff, v15;
	v16 =	vadd.s32 v1, v5;
	v14 =	vld [tilespmem:s14+$0xFFFFFFA0]  }
0xfb: {  	v15 =	vadd.s32 v3, v13;
	[tilespmem:v20+s24+$0x0] =	vst.idx.msk $0xffff, v19;
	v10 =	vld [tilespmem:s15+$0xFFFFFFC0]  }
0xfc: {  	s13 =	sor.u32 $0x2, s13;
	v12 =	vadd.s32 v2, v8;
	[tilespmem:v23+s24+$0x0] =	vst.idx.msk $0xffff, v21;
	v9 =	vld [tilespmem:s14+$0xFFFFFFF0]  }
0xfd: {  	s18 =	simm.s32 $0xB;
	s16 =	simm.s32 $0x8;
	s17 =	simm.s32 $0xC;
	v13 =	vadd.s32 v2, v4;
	[tilespmem:v25+s24+$0x0] =	vst.idx.msk $0xffff, v24;
	v11 =	vld [tilespmem:s14+$0xFFFFFF30]  }
.LBB2_7:
0xfe: {  	p1 =	slt.u32 s17, $0xC4;
	v19 =	vmov s18;
	[tilespmem:v18+s24+$0x0] =	vst.idx.msk $0xffff, v17;
	v17 =	vld [tilespmem:s15+$0xFFFFFF40];
	v18 =	vadd.s32 v3, v6;
	v6 =	vmov v4;
	s15 =	smov.u32 s14  }
0xff: {  	v4 =	vmov s16;
	v21 =	vadd.s32 v2, v7;
	s14 =	sadd.s32 $0x100, s14;
	v19 =	vand.u32 $0xFF, v19;
	v20 =	vld [tilespmem:s15+$0xFFFFFF70];
	[tilespmem:v16+s24+$0x0] =	vst.idx.msk $0xffff, v14  }
0x100: {  	s18 =	sadd.s32 $0x1, s16;
	v4 =	vand.u32 $0xFC, v4;
	v14 =	vld [tilespmem:s14+$0xFFFFFFD0];
	v16 =	vadd.s32 v0, v19;
	[tilespmem:v15+s24+$0x0] =	vst.idx.msk $0xffff, v10  }
0x101: {  	v22 =	vmov s18;
	s18 =	sadd.s32 $0x2, s16;
	s16 =	smov.u32 s17;
	v15 =	vadd.s32 v0, v4;
	v10 =	vld [tilespmem:s14+$0xFFFFFF10];
	[tilespmem:v12+s24+$0x0] =	vst.idx.msk $0xffff, v9  }
0x102: {  	v9 =	vand.u32 $0xFD, v22;
	v12 =	vmov s18;
	[tilespmem:v13+s24+$0x0] =	vst.idx.msk $0xffff, v11;
	v11 =	vld [tilespmem:s15+$0x0];
	v13 =	vadd.s32 v3, v8;
	v8 =	vmovc v19  }
0x103: {  	v22 =	vadd.s32 v0, v9;
	v12 =	vand.u32 $0xFE, v12;
	v19 =	vld [tilespmem:s14+$0xFFFFFF50];
	[tilespmem:v18+s24+$0x0] =	vst.idx.msk $0xffff, v17  }
0x104: {  	v24 =	vadd.s32 v0, v12;
	v23 =	vld [tilespmem:s14+$0xFFFFFF90];
	[tilespmem:v21+s24+$0x0] =	vst.idx.msk $0xffff, v20  }
0x105: {  	v21 =	vadd.s32 v2, v5;
	[tilespmem:v16+s24+$0x0] =	vst.idx.msk $0xffff, v14;
	v20 =	vld [tilespmem:s15+$0xFFFFFFB0]  }
0x106: {  	[tilespmem:v15+s24+$0x0] =	vst.idx.msk $0xffff, v10;
	v10 =	vld [tilespmem:s14+$0xFFFFFFE0];
	v15 =	vadd.s32 v1, v8  }
0x107: {  	v26 =	vadd.s32 v1, v4;
	v25 =	vld [tilespmem:s14+$0xFFFFFF20];
	[tilespmem:v13+s24+$0x0] =	vst.idx.msk $0xffff, v11  }
0x108: {  	[tilespmem:v22+s24+$0x0] =	vst.idx.msk $0xffff, v19;
	v19 =	vld [tilespmem:s15+$0xFFFFFF80];
	v22 =	vadd.s32 v3, v7;
	v7 =	vmov v9  }
.Ltmp2:
0x109: {  	v17 =	vld [tilespmem:s14+$0xFFFFFF60];
	v18 =	vadd.s32 v1, v7;
	[tilespmem:v24+s24+$0x0] =	vst.idx.msk $0xffff, v23;
	(pc) =	sbr.rel @p1 .LBB2_7-.Ltmp2, $4  }
0x10a: {  	v16 =	vadd.s32 v1, v12;
	v14 =	vld [tilespmem:s14+$0xFFFFFFA0];
	[tilespmem:v21+s24+$0x0] =	vst.idx.msk $0xffff, v20  }
0x10b: {  	[tilespmem:v15+s24+$0x0] =	vst.idx.msk $0xffff, v10;
	v10 =	vld [tilespmem:s15+$0xFFFFFFC0];
	v15 =	vadd.s32 v3, v5;
	v5 =	vmov v12  }
0x10c: {  	v12 =	vadd.s32 v2, v8;
	[tilespmem:v26+s24+$0x0] =	vst.idx.msk $0xffff, v25;
	v9 =	vld [tilespmem:s14+$0xFFFFFFF0]  }
0x10d: {  	s17 =	sadd.s32 $0x4, s17;
	s18 =	sadd.s32 $0x3, s16;
	v13 =	vadd.s32 v2, v4;
	v11 =	vld [tilespmem:s14+$0xFFFFFF30];
	[tilespmem:v22+s24+$0x0] =	vst.idx.msk $0xffff, v19  }
0x10e: {  	_ =	sdelay $0x2  }
0x10f: {  	v19 =	vmov s18;
	s17 =	sadd.s32 $0x1, s16  }
0x110: {  	[tilespmem:v18+s24+$0x0] =	vst.idx.msk $0xffff, v17;
	v17 =	vld [tilespmem:s15+$0xFFFFFF40];
	v6 =	vadd.s32 v3, v6;
	s18 =	sadd.s32 $0x100, s14;
	s19 =	sadd.s32 $0x2, s16;
	v18 =	vand.u32 $0xFF, v19;
	v19 =	vmov s17  }
0x111: {  	[tilespmem:v16+s24+$0x0] =	vst.idx.msk $0xffff, v14;
	v14 =	vld [tilespmem:s18+$0xFFFFFFD0];
	v20 =	vmov s19;
	v16 =	vadd.s32 v0, v18;
	v19 =	vand.u32 $0xFD, v19  }
0x112: {  	v21 =	vmov s16;
	[tilespmem:v15+s24+$0x0] =	vst.idx.msk $0xffff, v10;
	v10 =	vld [tilespmem:s18+$0xFFFFFF50];
	v20 =	vand.u32 $0xFE, v20;
	v15 =	vadd.s32 v0, v19  }
0x113: {  	v21 =	vand.u32 $0xFC, v21;
	[tilespmem:v12+s24+$0x0] =	vst.idx.msk $0xffff, v9;
	v9 =	vld [tilespmem:s18+$0xFFFFFF90];
	v12 =	vadd.s32 v0, v20  }
0x114: {  	v22 =	vld [tilespmem:s18+$0xFFFFFF10];
	[tilespmem:v13+s24+$0x0] =	vst.idx.msk $0xffff, v11;
	v11 =	vadd.s32 v0, v21  }
0x115: {  	v13 =	vld [tilespmem:s14+$0xFFFFFF70];
	[tilespmem:v6+s24+$0x0] =	vst.idx.msk $0xffff, v17;
	v6 =	vadd.s32 v2, v7  }
0x116: {  	v8 =	vadd.s32 v3, v8;
	v17 =	vld [tilespmem:s14+$0x0];
	[tilespmem:v16+s24+$0x0] =	vst.idx.msk $0xffff, v14  }
0x117: {  	v16 =	vadd.s32 v1, v18;
	v14 =	vld [tilespmem:s18+$0xFFFFFFE0];
	[tilespmem:v15+s24+$0x0] =	vst.idx.msk $0xffff, v10  }
0x118: {  	v15 =	vadd.s32 v1, v19;
	[tilespmem:v12+s24+$0x0] =	vst.idx.msk $0xffff, v9;
	v10 =	vld [tilespmem:s18+$0xFFFFFF60]  }
0x119: {  	[tilespmem:v11+s24+$0x0] =	vst.idx.msk $0xffff, v22;
	v9 =	vld [tilespmem:s18+$0xFFFFFFA0];
	v11 =	vadd.s32 v1, v20  }
0x11a: {  	v12 =	vadd.s32 v1, v21;
	[tilespmem:v6+s24+$0x0] =	vst.idx.msk $0xffff, v13;
	v6 =	vld [tilespmem:s18+$0xFFFFFF20]  }
0x11b: {  	v60 =	vadd.s32 v2, v5;
	v13 =	vld [tilespmem:s14+$0xFFFFFFB0];
	[tilespmem:v8+s24+$0x0] =	vst.idx.msk $0xffff, v17  }
0x11c: {  	v7 =	vadd.s32 v3, v7;
	v8 =	vld [tilespmem:s14+$0xFFFFFF80];
	[tilespmem:v16+s24+$0x0] =	vst.idx.msk $0xffff, v14  }
0x11d: {  	v16 =	vadd.s32 v2, v18;
	v14 =	vld [tilespmem:s18+$0xFFFFFFF0];
	[tilespmem:v15+s24+$0x0] =	vst.idx.msk $0xffff, v10  }
0x11e: {  	v15 =	vadd.s32 v2, v19;
	[tilespmem:v11+s24+$0x0] =	vst.idx.msk $0xffff, v9;
	v10 =	vld [tilespmem:s18+$0xFFFFFF70]  }
0x11f: {  	v9 =	vadd.s32 v2, v20;
	[tilespmem:v12+s24+$0x0] =	vst.idx.msk $0xffff, v6;
	v6 =	vld [tilespmem:s18+$0xFFFFFFB0]  }
0x120: {  	[tilespmem:v60+s24+$0x0] =	vst.idx.msk $0xffff, v13;
	v12 =	vadd.s32 v2, v21;
	v11 =	vld [tilespmem:s18+$0xFFFFFF30]  }
0x121: {  	v5 =	vadd.s32 v3, v5;
	v13 =	vld [tilespmem:s14+$0xFFFFFFC0];
	[tilespmem:v7+s24+$0x0] =	vst.idx.msk $0xffff, v8  }
0x122: {  	v4 =	vadd.s32 v3, v4;
	v7 =	vld [tilespmem:s14+$0xFFFFFF40];
	[tilespmem:v16+s24+$0x0] =	vst.idx.msk $0xffff, v14  }
0x123: {  	v14 =	vadd.s32 v3, v18;
	v8 =	vld [tilespmem:s18+$0x0];
	[tilespmem:v15+s24+$0x0] =	vst.idx.msk $0xffff, v10  }
0x124: {  	v15 =	vadd.s32 v3, v19;
	[tilespmem:v9+s24+$0x0] =	vst.idx.msk $0xffff, v6;
	v10 =	vld [tilespmem:s18+$0xFFFFFF80]  }
0x125: {  	v9 =	vadd.s32 v3, v20;
	[tilespmem:v12+s24+$0x0] =	vst.idx.msk $0xffff, v11;
	v6 =	vld [tilespmem:s18+$0xFFFFFFC0]  }
0x126: {  	[tilespmem:v5+s24+$0x0] =	vst.idx.msk $0xffff, v13;
	v11 =	vadd.s32 v3, v21;
	v5 =	vld [tilespmem:s18+$0xFFFFFF40]  }
0x127: {  	[tilespmem:v4+s24+$0x0] =	vst.idx.msk $0xffff, v7  }
0x128: {  	s13 =	sadd.s32 s5, s13;
	[tilespmem:v14+s24+$0x0] =	vst.idx.msk $0xffff, v8  }
0x129: {  	s13 =	smul.u32 $0x640, s13;
	[tilespmem:v15+s24+$0x0] =	vst.idx.msk $0xffff, v10  }
0x12a: {  	[tilespmem:v9+s24+$0x0] =	vst.idx.msk $0xffff, v6  }
0x12b: {  	s13 =	sadd.s32 s2, s13;
	[tilespmem:v11+s24+$0x0] =	vst.idx.msk $0xffff, v5  }
0x12c: {  	[hbm4b:s13+s3] =	stream.linear.scatter [tilespmem:s24], [sflag:$0x5], $0x3200, $0x38;
	[tilespmem:$0x19000] =	vst v63  }
0x12d: {  	s15 =	simm.s32 @!p0 $0xC800;
	s14 =	simm.s32 @!p0 $0x80;
	s13 =	sadd.s32 @!p0 $0x4B0, s12  }
0x12e: {  	[tilespmem:s15], [sflag:$0x3] =	stream.indirect.gather @!p0 [hbm4b:s4+s14], $0x40, s13, s14, $0xb8;
	[tilespmem:$0x19000] =	vst v63  }
0x12f: {  	s12 =	sadd.s32 @!p0 $0x530, s12;
	s13 =	simm.s32 @!p0 $0x48;
	s14 =	simm.s32 @!p0 $0xE800  }
0x130: {  	[tilespmem:s14], [sflag:$0x3] =	stream.indirect.gather @!p0 [hbm4b:s4+s13], $0x40, s12, s13, $0xb8;
	[tilespmem:$0x19000] =	vst v63  }
0x131: {  	_ =	swait.ge [sflag:s30], $0x2000  }
0x132: {  	[sflag:s30] =	ssyncset.done $0x0  }
0x133: {  	[sflag:s30] =	ssyncadd.s32 $0xFFFFE000  }
0x134: {  	_ =	swait.ge [sflag:s30], $0x1200  }
0x135: {  	[sflag:s30] =	ssyncset.done $0x0  }
0x136: {  	[sflag:s30] =	ssyncadd.s32 $0xFFFFEE00  }
0x137: {  	s18 =	simm.s32 $0x3;
	_ =	swait.ge [sflag:s31], $0x3200  }
0x138: {  	s19 =	simm.s32 $0x0;
	v4 =	vmov s18;
	[sflag:s31] =	ssyncset.done $0x0  }
0x139: {  	v5 =	vand.u32 $0xFF, v4;
	v4 =	vmov s19;
	s13 =	simm.s32 $0xFAF0;
	s14 =	simm.s32 $0x1;
	[sflag:s31] =	ssyncadd.s32 $0xFFFFCE00  }
0x13a: {  	v8 =	vadd.s32 v0, v5;
	v6 =	vand.u32 $0xFC, v4;
	v4 =	vmov s14;
	v7 =	vld [tilespmem:s13+$0xFFFFFFD0]  }
0x13b: {  	v10 =	vadd.s32 v0, v6;
	v11 =	vand.u32 $0xFD, v4;
	v9 =	vld [tilespmem:s13+$0xFFFFFF10]  }
0x13c: {  	s15 =	simm.s32 $0x2;
	v12 =	vadd.s32 v0, v11;
	v4 =	vld [tilespmem:s13+$0xFFFFFF50]  }
0x13d: {  	v13 =	vmov s15  }
0x13e: {  	v13 =	vand.u32 $0xFE, v13  }
0x13f: {  	v15 =	vadd.s32 v0, v13;
	v14 =	vld [tilespmem:s13+$0xFFFFFF90];
	[tilespmem:v8+s26+$0x0] =	vst.idx.msk $0xffff, v7  }
0x140: {  	v8 =	vadd.s32 v1, v5;
	[tilespmem:v10+s26+$0x0] =	vst.idx.msk $0xffff, v9;
	v7 =	vld [tilespmem:s13+$0xFFFFFFE0]  }
0x141: {  	v10 =	vadd.s32 v1, v6;
	[tilespmem:v12+s26+$0x0] =	vst.idx.msk $0xffff, v4;
	v9 =	vld [tilespmem:s13+$0xFFFFFF20]  }
0x142: {  	v12 =	vadd.s32 v1, v11;
	v4 =	vld [tilespmem:s13+$0xFFFFFF60];
	_ =	sdelay $0x1  }
0x143: {  	[tilespmem:v15+s26+$0x0] =	vst.idx.msk $0xffff, v14  }
0x144: {  	v16 =	vadd.s32 v1, v13;
	v15 =	vld [tilespmem:s13+$0xFFFFFFA0];
	[tilespmem:v8+s26+$0x0] =	vst.idx.msk $0xffff, v7  }
0x145: {  	s16 =	simm.s32 $0x7;
	v14 =	vadd.s32 v2, v5;
	[tilespmem:v10+s26+$0x0] =	vst.idx.msk $0xffff, v9;
	v7 =	vld [tilespmem:s13+$0xFFFFFFF0]  }
0x146: {  	v10 =	vadd.s32 v2, v6;
	v8 =	vmov s16;
	[tilespmem:v12+s26+$0x0] =	vst.idx.msk $0xffff, v4;
	v9 =	vld [tilespmem:s13+$0xFFFFFF30]  }
0x147: {  	s12 =	simm.s32 $0xFBF0;
	v17 =	vadd.s32 v2, v11;
	v8 =	vand.u32 $0xFF, v8;
	v12 =	vld [tilespmem:s13+$0xFFFFFF70]  }
0x148: {  	s17 =	simm.s32 $0x4;
	v18 =	vld [tilespmem:s12+$0xFFFFFFD0];
	v19 =	vadd.s32 v0, v8  }
0x149: {  	s18 =	simm.s32 $0x5;
	v4 =	vmov s17;
	[tilespmem:v16+s26+$0x0] =	vst.idx.msk $0xffff, v15  }
0x14a: {  	v62 =	vmov s18;
	v4 =	vand.u32 $0xFC, v4;
	[tilespmem:v14+s26+$0x0] =	vst.idx.msk $0xffff, v7  }
0x14b: {  	s19 =	simm.s32 $0x6;
	v20 =	vld [tilespmem:s12+$0xFFFFFF10];
	v61 =	vadd.s32 v0, v4;
	v7 =	vand.u32 $0xFD, v62;
	[tilespmem:v10+s26+$0x0] =	vst.idx.msk $0xffff, v9  }
0x14c: {  	v14 =	vmov s19;
	v9 =	vld [tilespmem:s12+$0xFFFFFF50];
	[tilespmem:v17+s26+$0x0] =	vst.idx.msk $0xffff, v12;
	v10 =	vadd.s32 v0, v7  }
0x14d: {  	v16 =	vadd.s32 v3, v5;
	v12 =	vld [tilespmem:s13+$0xFFFFFFB0];
	v5 =	vand.u32 $0xFE, v14;
	[tilespmem:v19+s26+$0x0] =	vst.idx.msk $0xffff, v18;
	v18 =	vadd.s32 v2, v13  }
0x14e: {  	v14 =	vld [tilespmem:s12+$0xFFFFFF90];
	v63 =	vadd.s32 v0, v5  }
0x14f: {  	v15 =	vld [tilespmem:s13+$0x0]  }
0x150: {  	[tilespmem:v61+s26+$0x0] =	vst.idx.msk $0xffff, v20;
	v20 =	vadd.s32 v1, v8;
	v19 =	vld [tilespmem:s12+$0xFFFFFFE0]  }
0x151: {  	v23 =	vadd.s32 v1, v4;
	v21 =	vld [tilespmem:s12+$0xFFFFFF20];
	[tilespmem:v10+s26+$0x0] =	vst.idx.msk $0xffff, v9  }
0x152: {  	v25 =	vadd.s32 v3, v11;
	v24 =	vld [tilespmem:s13+$0xFFFFFF80];
	[tilespmem:v18+s26+$0x0] =	vst.idx.msk $0xffff, v12  }
0x153: {  	v18 =	vadd.s32 v1, v7;
	v17 =	vld [tilespmem:s12+$0xFFFFFF60];
	[tilespmem:v63+s26+$0x0] =	vst.idx.msk $0xffff, v14  }
0x154: {  	[tilespmem:v16+s26+$0x0] =	vst.idx.msk $0xffff, v15;
	v16 =	vadd.s32 v1, v5;
	v15 =	vld [tilespmem:s12+$0xFFFFFFA0]  }
0x155: {  	[tilespmem:v20+s26+$0x0] =	vst.idx.msk $0xffff, v19;
	v11 =	vld [tilespmem:s13+$0xFFFFFFC0];
	v14 =	vadd.s32 v3, v13  }
0x156: {  	v12 =	vadd.s32 v2, v8;
	[tilespmem:v23+s26+$0x0] =	vst.idx.msk $0xffff, v21;
	v9 =	vld [tilespmem:s12+$0xFFFFFFF0]  }
0x157: {  	s15 =	simm.s32 $0xC;
	s14 =	simm.s32 $0x8;
	s16 =	simm.s32 $0xB;
	[tilespmem:v25+s26+$0x0] =	vst.idx.msk $0xffff, v24;
	v13 =	vadd.s32 v2, v4;
	v10 =	vld [tilespmem:s12+$0xFFFFFF30]  }
.LBB2_9:
0x158: {  	p0 =	slt.u32 s15, $0xC4;
	v19 =	vmov s16;
	[tilespmem:v18+s26+$0x0] =	vst.idx.msk $0xffff, v17;
	v17 =	vld [tilespmem:s13+$0xFFFFFF40];
	v18 =	vadd.s32 v3, v6;
	v6 =	vmov v4;
	s13 =	smov.u32 s12  }
0x159: {  	v4 =	vmov s14;
	v21 =	vadd.s32 v2, v7;
	s12 =	sadd.s32 $0x100, s12;
	v19 =	vand.u32 $0xFF, v19;
	v20 =	vld [tilespmem:s13+$0xFFFFFF70];
	[tilespmem:v16+s26+$0x0] =	vst.idx.msk $0xffff, v15  }
0x15a: {  	s16 =	sadd.s32 $0x1, s14;
	v4 =	vand.u32 $0xFC, v4;
	v15 =	vld [tilespmem:s12+$0xFFFFFFD0];
	v16 =	vadd.s32 v0, v19;
	[tilespmem:v14+s26+$0x0] =	vst.idx.msk $0xffff, v11  }
0x15b: {  	v22 =	vmov s16;
	s16 =	sadd.s32 $0x2, s14;
	s14 =	smov.u32 s15;
	v14 =	vadd.s32 v0, v4;
	v11 =	vld [tilespmem:s12+$0xFFFFFF10];
	[tilespmem:v12+s26+$0x0] =	vst.idx.msk $0xffff, v9  }
0x15c: {  	v9 =	vand.u32 $0xFD, v22;
	v12 =	vmov s16;
	[tilespmem:v13+s26+$0x0] =	vst.idx.msk $0xffff, v10;
	v10 =	vld [tilespmem:s13+$0x0];
	v13 =	vadd.s32 v3, v8;
	v8 =	vmovc v19  }
0x15d: {  	v22 =	vadd.s32 v0, v9;
	v12 =	vand.u32 $0xFE, v12;
	v19 =	vld [tilespmem:s12+$0xFFFFFF50];
	[tilespmem:v18+s26+$0x0] =	vst.idx.msk $0xffff, v17  }
0x15e: {  	v24 =	vadd.s32 v0, v12;
	v23 =	vld [tilespmem:s12+$0xFFFFFF90];
	[tilespmem:v21+s26+$0x0] =	vst.idx.msk $0xffff, v20  }
0x15f: {  	v21 =	vadd.s32 v2, v5;
	[tilespmem:v16+s26+$0x0] =	vst.idx.msk $0xffff, v15;
	v20 =	vld [tilespmem:s13+$0xFFFFFFB0]  }
0x160: {  	[tilespmem:v14+s26+$0x0] =	vst.idx.msk $0xffff, v11;
	v11 =	vld [tilespmem:s12+$0xFFFFFFE0];
	v14 =	vadd.s32 v1, v8  }
0x161: {  	v26 =	vadd.s32 v1, v4;
	v25 =	vld [tilespmem:s12+$0xFFFFFF20];
	[tilespmem:v13+s26+$0x0] =	vst.idx.msk $0xffff, v10  }
0x162: {  	[tilespmem:v22+s26+$0x0] =	vst.idx.msk $0xffff, v19;
	v19 =	vld [tilespmem:s13+$0xFFFFFF80];
	v22 =	vadd.s32 v3, v7;
	v7 =	vmov v9  }
.Ltmp3:
0x163: {  	v17 =	vld [tilespmem:s12+$0xFFFFFF60];
	v18 =	vadd.s32 v1, v7;
	[tilespmem:v24+s26+$0x0] =	vst.idx.msk $0xffff, v23;
	(pc) =	sbr.rel @p0 .LBB2_9-.Ltmp3, $4  }
0x164: {  	v16 =	vadd.s32 v1, v12;
	v15 =	vld [tilespmem:s12+$0xFFFFFFA0];
	[tilespmem:v21+s26+$0x0] =	vst.idx.msk $0xffff, v20  }
0x165: {  	[tilespmem:v14+s26+$0x0] =	vst.idx.msk $0xffff, v11;
	v11 =	vld [tilespmem:s13+$0xFFFFFFC0];
	v14 =	vadd.s32 v3, v5;
	v5 =	vmov v12  }
0x166: {  	v12 =	vadd.s32 v2, v8;
	[tilespmem:v26+s26+$0x0] =	vst.idx.msk $0xffff, v25;
	v9 =	vld [tilespmem:s12+$0xFFFFFFF0]  }
0x167: {  	s15 =	sadd.s32 $0x4, s15;
	s16 =	sadd.s32 $0x3, s14;
	v13 =	vadd.s32 v2, v4;
	v10 =	vld [tilespmem:s12+$0xFFFFFF30];
	[tilespmem:v22+s26+$0x0] =	vst.idx.msk $0xffff, v19  }
0x168: {  	_ =	sdelay $0x2  }
0x169: {  	v19 =	vmov s16  }
0x16a: {  	s15 =	sadd.s32 $0x1, s14;
	[tilespmem:v18+s26+$0x0] =	vst.idx.msk $0xffff, v17;
	v30 =	vld [tilespmem:s13+$0xFFFFFF40];
	v6 =	vadd.s32 v3, v6;
	s18 =	sadd.s32 $0x100, s12;
	v21 =	vmov s14;
	v31 =	vand.u32 $0xFF, v19  }
0x16b: {  	s19 =	sadd.s32 $0x2, s14;
	v32 =	vmov s15;
	[tilespmem:v16+s26+$0x0] =	vst.idx.msk $0xffff, v15;
	v33 =	vld [tilespmem:s18+$0xFFFFFFD0];
	v21 =	vand.u32 $0xFC, v21;
	v34 =	vadd.s32 v0, v31  }
0x16c: {  	v20 =	vmov s19;
	v22 =	vld [tilespmem:s18+$0xFFFFFF10];
	v19 =	vand.u32 $0xFD, v32;
	[tilespmem:v14+s26+$0x0] =	vst.idx.msk $0xffff, v11;
	v39 =	vadd.s32 v0, v21  }
0x16d: {  	v35 =	vld [tilespmem:s18+$0xFFFFFF50];
	v20 =	vand.u32 $0xFE, v20;
	v36 =	vadd.s32 v0, v19;
	[tilespmem:v12+s26+$0x0] =	vst.idx.msk $0xffff, v9  }
0x16e: {  	v37 =	vld [tilespmem:s18+$0xFFFFFF90];
	v38 =	vadd.s32 v0, v20;
	[tilespmem:v13+s26+$0x0] =	vst.idx.msk $0xffff, v10  }
0x16f: {  	v41 =	vadd.s32 v2, v7;
	v40 =	vld [tilespmem:s12+$0xFFFFFF70];
	[tilespmem:v6+s26+$0x0] =	vst.idx.msk $0xffff, v30  }
0x170: {  	v49 =	vadd.s32 v2, v5;
	v48 =	vld [tilespmem:s12+$0xFFFFFFB0];
	[tilespmem:v34+s26+$0x0] =	vst.idx.msk $0xffff, v33  }
0x171: {  	v43 =	vadd.s32 v1, v31;
	[tilespmem:v39+s26+$0x0] =	vst.idx.msk $0xffff, v22;
	v15 =	vld [tilespmem:s18+$0xFFFFFFE0]  }
0x172: {  	v47 =	vadd.s32 v1, v21;
	[tilespmem:v36+s26+$0x0] =	vst.idx.msk $0xffff, v35;
	v46 =	vld [tilespmem:s18+$0xFFFFFF20]  }
0x173: {  	v44 =	vadd.s32 v1, v19;
	[tilespmem:v38+s26+$0x0] =	vst.idx.msk $0xffff, v37;
	v11 =	vld [tilespmem:s18+$0xFFFFFF60]  }
0x174: {  	v45 =	vadd.s32 v1, v20;
	[tilespmem:v41+s26+$0x0] =	vst.idx.msk $0xffff, v40;
	v9 =	vld [tilespmem:s18+$0xFFFFFFA0]  }
0x175: {  	v8 =	vadd.s32 v3, v8;
	v42 =	vld [tilespmem:s12+$0x0];
	[tilespmem:v49+s26+$0x0] =	vst.idx.msk $0xffff, v48  }
0x176: {  	v5 =	vadd.s32 v3, v5;
	v13 =	vld [tilespmem:s12+$0xFFFFFFC0];
	[tilespmem:v43+s26+$0x0] =	vst.idx.msk $0xffff, v15  }
0x177: {  	v52 =	vadd.s32 v2, v31;
	[tilespmem:v47+s26+$0x0] =	vst.idx.msk $0xffff, v46;
	v15 =	vld [tilespmem:s18+$0xFFFFFFF0]  }
0x178: {  	v57 =	vadd.s32 v2, v21;
	[tilespmem:v44+s26+$0x0] =	vst.idx.msk $0xffff, v11;
	v56 =	vld [tilespmem:s18+$0xFFFFFF30]  }
0x179: {  	v53 =	vadd.s32 v2, v19;
	[tilespmem:v45+s26+$0x0] =	vst.idx.msk $0xffff, v9;
	v11 =	vld [tilespmem:s18+$0xFFFFFF70]  }
0x17a: {  	v55 =	vadd.s32 v2, v20;
	[tilespmem:v8+s26+$0x0] =	vst.idx.msk $0xffff, v42;
	v54 =	vld [tilespmem:s18+$0xFFFFFFB0]  }
0x17b: {  	v4 =	vadd.s32 v3, v4;
	v58 =	vld [tilespmem:s12+$0xFFFFFF40];
	[tilespmem:v5+s26+$0x0] =	vst.idx.msk $0xffff, v13  }
0x17c: {  	v51 =	vadd.s32 v3, v7;
	v50 =	vld [tilespmem:s12+$0xFFFFFF80];
	[tilespmem:v52+s26+$0x0] =	vst.idx.msk $0xffff, v15  }
0x17d: {  	v60 =	vadd.s32 v3, v31;
	[tilespmem:v57+s26+$0x0] =	vst.idx.msk $0xffff, v56;
	v59 =	vld [tilespmem:s18+$0x0]  }
0x17e: {  	v63 =	vadd.s32 v3, v21;
	[tilespmem:v53+s26+$0x0] =	vst.idx.msk $0xffff, v11;
	v5 =	vld [tilespmem:s18+$0xFFFFFF40]  }
0x17f: {  	v61 =	vadd.s32 v3, v19;
	[tilespmem:v55+s26+$0x0] =	vst.idx.msk $0xffff, v54;
	v11 =	vld [tilespmem:s18+$0xFFFFFF80]  }
0x180: {  	s0 =	sadd.s32 $0x1, s0;
	v62 =	vadd.s32 v3, v20;
	[tilespmem:v4+s26+$0x0] =	vst.idx.msk $0xffff, v58;
	v6 =	vld [tilespmem:s18+$0xFFFFFFC0]  }
0x181: {  	p0 =	sne.s32 s0, $0x20;
	[tilespmem:v51+s26+$0x0] =	vst.idx.msk $0xffff, v50  }
.Ltmp4:
0x182: {  	s10 =	sadd.s32 s5, s10;
	[tilespmem:v60+s26+$0x0] =	vst.idx.msk $0xffff, v59;
	(pc) =	sbr.rel @p0 .LBB2_2-.Ltmp4, $4  }
0x183: {  	s10 =	smul.u32 $0x640, s10;
	[tilespmem:v63+s26+$0x0] =	vst.idx.msk $0xffff, v5  }
0x184: {  	[tilespmem:v61+s26+$0x0] =	vst.idx.msk $0xffff, v11  }
0x185: {  	s10 =	sadd.s32 s2, s10;
	[tilespmem:v62+s26+$0x0] =	vst.idx.msk $0xffff, v6  }
0x186: {  	[hbm4b:s10+s3] =	stream.linear.scatter [tilespmem:s26], [sflag:$0x6], $0x3200, $0x38;
	[tilespmem:$0x19000] =	vst v63  }
0x187: {  	s1 =	sadd.s32 $0x1, s1  }
0x188: {  	_ =	swait.ge [sflag:s29], $0x3200;
	p0 =	sne.s32 s1, s7  }
.Ltmp5:
0x189: {  	[sflag:s29] =	ssyncset.done $0x0;
	(pc) =	sbr.rel @p0 .LBB2_1-.Ltmp5, $4  }
0x18a: {  	[sflag:s29] =	ssyncadd.s32 $0xFFFFCE00  }
0x18b: {  	_ =	swait.ge [sflag:s31], $0x3200  }
0x18c: {  	[sflag:s31] =	ssyncset.done $0x0  }
0x18d: {  	[sflag:s31] =	ssyncadd.s32 $0xFFFFCE00  }
0x18e: {  	_ =	sfence.sel $0x180000  }
0x18f: {  	[bflag:$0x0] =	sbarrier.arrive $0xFFFF  }
0x190: {  	_ =	strace $0x90000047  }
0x191: {  	s0 =	stileid.u32;
	[bflag:$0x2] =	sbarrier.arrive $0xFFFF  }
0x192: {  	p0 =	sne.s32 s0, $0x0;
	s0 =	rddreg [dreg:$0x2]  }
0x193: {  	s0 =	sadd.s32 @!p0 $0x100000, s0  }
0x194: {  	[sflag:s0] =	ssyncadd.tile.s32 @!p0 $0x1;
	_ =	shalt  }
.Lfunc_end2:
_tile_overlayer_lowered:
.L_overlay_start_2:
0x195: {  	(tag) =	ssettag $0x2  }
0x196: {  	s0 =	rddreg [dreg:$0x0];
	s2 =	stileid.u32  }
0x197: {  	s1 =	rddreg [dreg:$0x1];
	p0 =	sne.s32 s2, $0x0  }
0x198: {  	s3 =	rddreg [dreg:$0x2];
	[bflag:$0x3] =	sbarrier.arrive $0xFFFF;
	s2 =	simm.s32 @!p0 $0x1C07  }
0x199: {  	[timem:s3], [sflag:s2] =	dma.local @!p0 [hbm:s0], s1  }
0x19a: {  	s0 =	simm.s32 @!p0 $0x7  }
0x19b: {  	_ =	swait.ge @!p0 [sflag:s0], s1  }
0x19c: {  	s1 =	ssub.s32 @!p0 $0x0, s1;
	[sflag:s0] =	ssyncset.done @!p0 $0x0  }
0x19d: {  	[sflag:s0] =	ssyncadd.s32 @!p0 s1  }
0x19e: {  	[bflag:$0x3] =	sbarrier.arrive $0xFFFF  }
0x19f: {  	_ =	shalt  }

// kernel: sparse-core-data-format-call.cloned.1.call-start
scs
called_computation_lowered:
.L_overlay_start_0:
0x0: {  	s2 =	sld [smem:$0x3FD9]  }
0x1: {  	s3 =	sld [smem:$0x3FFE];
	_ =	sdelay $0x1  }
0x2: {  	s1 =	srdreg.scid  }
0x3: {  	s0 =	sand.u32 $0x1, s1  }
0x4: {  	s18 =	sshll.u32 s0, $0xA;
	s2 =	sadd.s32 s3, s2  }
0x5: {  	s2 =	sadd.s32 s2, s18  }
0x6: {  	[smem:$0x3FC6] =	sst s2  }
0x7: {  	_ = 	snop  }
0x8: {  	s2 =	sld [smem:$0x3FD0];
	(tm) =	ssettm $0x1  }
0x9: {  	s19 =	sld [smem:$0x3FFB];
	_ =	sdelay $0x3  }
0xa: {  	_ =	strace s19  }
0xb: {  	s3 =	sld [smem:$0x3FFC];
	_ =	sdelay $0x3  }
0xc: {  	_ =	strace s3  }
0xd: {  	s3 =	sld [smem:$0x3FFD];
	_ =	sdelay $0x3  }
0xe: {  	_ =	strace s3  }
0xf: {  	_ =	strace $0x8FFFFFFF  }
0x10: {  	s20 =	sld [smem:$0x3FDB];
	_ =	sdelay $0x1  }
0x11: {  	s4 =	simm.s32 $_scs_section_size  }
0x12: {  	s5 =	simm.s32 $_size__tile_overlayer_lowered;
	s6 =	simm.s32 $_tile_overlayer_lowered  }
0x13: {  	s23 =	simm.s32 $0x1BFF;
	s22 =	sshll.u32 s6, $0x1;
	s3 =	sadd.s32 s4, s20  }
0x14: {  	s7 =	simm.s32 $0x0;
	s21 =	sshll.u32 s5, $0x1;
	s5 =	sadd.s32 s22, s3  }
0x15: {  	[timem:s7], [sflag:s23] =	dma.local [hbm:s5], s21  }
0x16: {  	_ =	swait.ge [sflag:s23], s21  }
0x17: {  	s4 =	ssub.s32 $0x0, s21;
	[sflag:s23] =	ssyncset.done $0x0  }
0x18: {  	[sflag:s23] =	ssyncadd.s32 s4;
	_ =	sdelay $0x1  }
0x19: {  	s24 =	simm.s32 $0x1B8B  }
0x1a: {  	_ =	swait.ge [sflag:s24], $0x1  }
0x1b: {  	[sflag:s24] =	ssyncset.done $0x0  }
0x1c: {  	s26 =	simm.s32 $0x1B8E;
	s25 =	sld [smem:$0x3FFE];
	[sflag:s24] =	ssyncadd.s32 $0xFFFFFFFF  }
0x1d: {  	s27 =	simm.s32 $execute0_lowered;
	[smem:$0x3FD2] =	sst s26  }
0x1e: {  	s5 =	sshll.u32 s27, $0x1;
	_ =	strace $0x80000049;
	[dreg:$0x1] =	wrdreg $0xFFFFFFFF  }
0x1f: {  	s28 =	simm.s32 $_size_execute0_lowered;
	s3 =	sadd.s32 s3, s5;
	[dreg:$0x0] =	wrdreg $0x0  }
0x20: {  	s5 =	sshll.u32 s28, $0x1;
	[dreg:$0x2] =	wrdreg s3  }
0x21: {  	[dreg:$0x3] =	wrdreg s5  }
0x22: {  	[dreg:$0x4] =	wrdreg $0xC0  }
0x23: {  	_ =	task [dreg:s7], $0x5FFFF  }
0x24: {  	[dreg:$0x1] =	wrdreg $0xFFFFFFFF  }
0x25: {  	[dreg:$0x0] =	wrdreg $0x60  }
0x26: {  	[dreg:$0x2] =	wrdreg s25  }
0x27: {  	[dreg:$0x3] =	wrdreg s2  }
0x28: {  	[dreg:$0x4] =	wrdreg $0x9  }
0x29: {  	_ =	task.clear_ibuf [dreg:s7], $0x5FFFF;
	_ =	strace $0x90000049  }
0x2a: {  	s29 =	simm.s32 $0x9;
	_ =	strace $0x8000004B  }
0x2b: {  	_ =	swait.ge [sflag:s29], $0x1  }
0x2c: {  	[sflag:s29] =	ssyncadd.s32 $0xFFFFFFFF  }
0x2d: {  	_ =	strace $0x9000004B  }
0x2e: {  	_ =	sfence  }
0x2f: {  	s30 =	sld [smem:$0x0];
	_ =	sdelay $0x2  }
0x30: {  	s31 =	sshll.u32 s1, $0xD;
	s1 =	sshrl.u32 s1, $0x2  }
0x31: {  	s3 =	sand.u32 $0x4000, s31;
	s1 =	sadd.s32 s1, s30  }
0x32: {  	s0 =	sor.u32 s3, s0;
	s1 =	sshll.u32 s1, $0x11  }
0x33: {  	s0 =	sor.u32 s1, s0  }
0x34: {  	s0 =	sadd.s32 $0x8F2B, s0  }
0x35: {  	[sflag:s0] =	ssyncadd.remote.s32 $0x1  }
0x36: {  	_ =	sfence.sel $0xFFFF  }
0x37: {  	[dreg:$0x0] =	wrdreg $0xFFFFFFFF;
	(pc) =	sbr.abs _section_cstart, $3  }
0x38: {  	[dreg:$0x1] =	wrdreg $0xFFFFFFFF  }
0x39: {  	_ =	task.clear_ibuf [dreg:s7], $0x2FFFF;
	_ =	strace $0x9FFFFFFF  }
0x3a: {  	(tm) =	ssettm $0x7FFFFFFF  }
0x3b: {  	_ =	shalt  }
tec
execute0_lowered:
.L_overlay_start_1:
0x0: {  	(tag) =	ssettag $0x1  }
0x1: {  	s5 =	rddreg [dreg:$0x0]  }
0x2: {  	s0 =	srdreg.scid;
	s3 =	rddreg [dreg:$0x1];
	s7 =	simm.s32 $0x1  }
0x3: {  	s8 =	simm.s32 $0x2;
	s16 =	simm.s32 $0x0;
	s1 =	sshll.u32 s0, $0x4  }
0x4: {  	s18 =	simm.s32 $0x0;
	s0 =	stileid.u32;
	s1 =	sand.u32 $0x10, s1  }
0x5: {  	s17 =	simm.s32 $0x0;
	s9 =	simm.s32 $0x0;
	s1 =	sor.u32 s0, s1  }
0x6: {  	s10 =	simm.s32 $0x0;
	s11 =	simm.s32 $0x0;
	s2 =	sshll.u32 s1, $0x7  }
0x7: {  	s12 =	simm.s32 $0x0;
	s13 =	simm.s32 $0x0;
	s6 =	ssub.s32 $0x1000, s2  }
0x8: {  	s15 =	simm.s32 $0x0;
	s5 =	sadd.s32 $0xA00, s5;
	s4 =	sand.u32 $0xF80, s6  }
.Ltmp0:
0x9: {  	s1 =	rddreg [dreg:$0x2];
	p0 =	sne.s32 s4, $0x0;
	(pc) =	sbr.rel .LBB1_1-.Ltmp0, $4  }
0xa: {  	_ =	strace $0x8000004A;
	s6 =	sshrl.u32 s6, $0xC;
	s7 =	simm.s32 @!p0 $0x0  }
0xb: {  	s14 =	smov.u32 s2;
	s4 =	simm.s32 $0x1;
	s6 =	sadd.s32 s7, s6  }
0xc: {  	[sflag:s4] =	ssyncpa.u1 $0x0;
	p0 =	por $0x0, $0x0;
	s6 =	sshll.u32 s6, $0x7  }
0xd: {  	[sflag:s8] =	ssyncpa.u1 $0x0;
	s8 =	simm.s32 $0x8000;
	s7 =	sor.u32 $0x1, s6  }
.LBB1_4:
0xe: {  	s23 =	sshra.s32 s23, $0x2;
	s30 =	sshll.u32 s9, $0xC  }
0xf: {  	p1 =	sgt.s32 s10, $0x3F;
	s24 =	smov.u32 s10;
	s25 =	sshra.s32 s10, $0x1F  }
0x10: {  	s26 =	sshll.u32 s11, $0x3;
	s28 =	smov.u32 s11;
	s29 =	sshra.s32 s11, $0x1F  }
0x11: {  	s22 =	sadd.s32 s23, s22;
	s24 =	simm.s32 @!p1 $0x3F;
	s25 =	sand.u32 s25, s10  }
0x12: {  	s23 =	sand.u32 $0xFFFF8000, s30;
	s27 =	sand.u32 $0xFFFFFC00, s26;
	p1 =	sgt.s32 s9, $0x48  }
0x13: {  	s31 =	sand.u32 s29, s11;
	s29 =	sshll.u32 s9, $0x7;
	s30 =	sshra.s32 s9, $0x1F  }
0x14: {  	[tilespmem:s21+$0x2040 ss:$0x81] =	vst.msk $0xffff, v4;
	s24 =	ssub.s32 s24, s25;
	s23 =	sadd.s32 s27, s23;
	s27 =	smov.u32 s9  }
0x15: {  	[tilespmem:s21+$0x2850 ss:$0x81] =	vst.msk $0xffff, v3;
	s29 =	sand.u32 $0x380, s29;
	s25 =	sadd.s32 $0xFFFFFFC1, s24;
	s27 =	simm.s32 @!p1 $0x48  }
0x16: {  	v5 =	vld [tilespmem:s20+$0xFFFFFFD0];
	[tilespmem:s21+$0x3060 ss:$0x81] =	vst.msk $0xffff, v2;
	p1 =	sgt.s32 s11, $0xF80;
	s23 =	sshrl.u32 s23, $0xC;
	s24 =	ssub.s32 $0x40, s24  }
0x17: {  	v58 =	vld [tilespmem:s20+$0xFFFFFFE0];
	[tilespmem:s21+$0x0 ss:$0x81] =	vst.msk $0xffff, v1;
	s28 =	simm.s32 @!p1 $0xF80;
	p1 =	sgt.s32 s25, $0x0;
	s21 =	smulhi.u32 $0x147AE15, s23  }
0x18: {  	v59 =	vld [tilespmem:s20+$0xFFFFFFF0];
	s25 =	ssub.s32 s28, s31;
	s28 =	sand.u32 s30, s9;
	s24 =	simm.s32 @p1 $0x0  }
0x19: {  	v60 =	vld [tilespmem:s20+$0x0];
	s27 =	ssub.s32 s27, s28;
	s31 =	sadd.s32 $0xFFFFF080, s25;
	s25 =	ssub.s32 $0x1000, s25  }
0x1a: {  	v61 =	vld [tilespmem:s20+$0x10];
	[tilespmem:s22+$0x3870 ss:$0x81] =	vst.msk $0xffff, v0;
	s21 =	smul.u32 $0xC8, s21;
	s28 =	sand.u32 $0x7, s11;
	p1 =	sgt.s32 s31, $0x7F  }
0x1b: {  	v62 =	vld [tilespmem:s20+$0x20];
	[tilespmem:s22+$0x810 ss:$0x81] =	vst.msk $0xffff, v5;
	s30 =	sadd.s32 $0xFFFFFFB8, s27;
	s31 =	sand.u32 $0x78, s11;
	s25 =	simm.s32 @p1 $0x0  }
0x1c: {  	v63 =	vld [tilespmem:s20+$0xFFFFFFC0];
	[tilespmem:s22+$0x1020 ss:$0x81] =	vst.msk $0xffff, v58;
	p1 =	sgt.s32 s30, $0x7F;
	s30 =	sand.u32 $0xC00, s26;
	s24 =	smul.u32 s25, s24  }
0x1d: {  	[tilespmem:s22+$0x1830 ss:$0x81] =	vst.msk $0xffff, v59;
	s26 =	ssub.s32 $0xC8, s27;
	s20 =	sor.u32 s31, s30;
	s31 =	smul.u32 $0x19000, s10  }
0x1e: {  	[tilespmem:s22+$0x2040 ss:$0x81] =	vst.msk $0xffff, v60;
	s21 =	ssub.s32 s23, s21;
	s26 =	simm.s32 @p1 $0x0;
	s20 =	sor.u32 s29, s20  }
0x1f: {  	[tilespmem:s22+$0x2850 ss:$0x81] =	vst.msk $0xffff, v61;
	s26 =	smul.u32 s26, s24;
	s20 =	sshrl.u32 s20, $0x3;
	s27 =	sadd.s32 s3, s31  }
0x20: {  	[tilespmem:s22+$0x3060 ss:$0x81] =	vst.msk $0xffff, v62;
	s21 =	sshll.u32 s21, $0x9;
	s29 =	sshll.u32 s28, $0x12;
	s20 =	sadd.s32 s20, s27  }
0x21: {  	[tilespmem:s22+$0x0 ss:$0x81] =	vst.msk $0xffff, v63;
	s31 =	sor.u32 $0x400, s29;
	s30 =	sand.u32 $0x3FFFFFFF, s26;
	s20 =	sadd.s32 s21, s20  }
0x22: {  	[hbm4b:s20+s31] =	stream.strided.scatter [tilespmem:s19], [sflag:$0x2], s30, s8, s31, $0x20;
	[tilespmem:$0x10100] =	vst v63  }
.LBB1_5:
0x23: {  	p1 =	slt.u32 s15, $0x2  }
0x24: {  	p2 =	sgt.s32 @!p1 s18, $0x3F  }
0x25: {  	s19 =	smov.u32 s18;
	s20 =	sshra.s32 @!p1 s18, $0x1F;
	p2 =	por !p2, p1  }
0x26: {  	s18 =	sand.u32 @!p1 s20, s18;
	s19 =	simm.s32 @p2 $0x3F  }
0x27: {  	p3 =	sgt.s32 @!p1 s16, $0x48;
	s18 =	ssub.s32 @!p1 s19, s18  }
0x28: {  	p4 =	sgt.s32 @!p1 s17, $0xF80;
	s21 =	sshra.s32 @!p1 s17, $0x1F;
	s19 =	sadd.s32 @!p1 $0xFFFFFFC1, s18  }
0x29: {  	s20 =	smov.u32 s16;
	p2 =	sgt.s32 @!p1 s19, $0x0;
	s19 =	sshra.s32 @!p1 s16, $0x1F  }
0x2a: {  	p4 =	por !p4, p1;
	s16 =	sand.u32 @!p1 s19, s16;
	s19 =	smov.u32 s17  }
0x2b: {  	p3 =	por !p3, p1;
	s17 =	sand.u32 @!p1 s21, s17;
	s19 =	simm.s32 @p4 $0xF80  }
0x2c: {  	s20 =	simm.s32 @p3 $0x48;
	s18 =	ssub.s32 @!p1 $0x40, s18;
	s17 =	ssub.s32 @!p1 s19, s17  }
0x2d: {  	p2 =	por !p2, p1;
	s16 =	ssub.s32 @!p1 s20, s16;
	s20 =	sadd.s32 @!p1 $0xFFFFF080, s17  }
0x2e: {  	s18 =	simm.s32 @!p2 $0x0;
	p3 =	sgt.s32 @!p1 s20, $0x7F  }
0x2f: {  	s19 =	sadd.s32 @!p1 $0xFFFFFFB8, s16;
	s17 =	ssub.s32 @!p1 $0x1000, s17;
	p3 =	por !p3, p1  }
0x30: {  	p2 =	sgt.s32 @!p1 s19, $0x7F;
	s19 =	sadd.s32 $0x80, s12;
	s17 =	simm.s32 @!p3 $0x0  }
0x31: {  	p3 =	sgt.s32 s19, $0xC7;
	s17 =	smul.u32 @!p1 s17, s18;
	s18 =	simm.s32 $0x1  }
0x32: {  	s16 =	ssub.s32 @!p1 $0xC8, s16;
	p2 =	por !p2, p1;
	s18 =	simm.s32 @!p3 $0x0  }
0x33: {  	s21 =	smov.u32 s14;
	s16 =	simm.s32 @!p2 $0x0;
	s20 =	sadd.s32 s18, s13  }
0x34: {  	s16 =	smul.u32 @!p1 s16, s17;
	s17 =	sadd.s32 $0x1000, s14;
	p2 =	sgt.s32 s20, $0x3F  }
0x35: {  	p0 =	por !p0, !p0;
	s22 =	simm.s32 @!p1 $0x2;
	s21 =	smov.u32 @p2 s17  }
0x36: {  	s19 =	simm.s32 @p3 $0x0;
	s20 =	simm.s32 @p2 $0x0;
	p2 =	sgt.s32 s21, $0xFFF  }
0x37: {  	s18 =	smov.u32 s10;
	s21 =	smov.u32 @p2 s2;
	p2 =	sne.s32 s15, s7  }
.Ltmp1:
0x38: {  	s10 =	smov.u32 s13;
	s16 =	sand.u32 @!p1 $0x3FFFFFFF, s16;
	(pc) =	sbr.rel @!p2 .LBB1_6-.Ltmp1, $4  }
0x39: {  	s17 =	smov.u32 s11;
	s11 =	smov.u32 s14;
	_ =	swait.ge @!p1 [sflag:s22], s16  }
0x3a: {  	s23 =	ssub.s32 @!p1 $0x0, s16;
	s16 =	smov.u32 s9;
	s9 =	smov.u32 s12  }
0x3b: {  	s12 =	smov.u32 s19;
	s13 =	smov.u32 s20;
	[sflag:s22] =	ssyncset.done @!p1 $0x0  }
0x3c: {  	s15 =	sadd.s32 $0x1, s15;
	[sflag:s22] =	ssyncadd.s32 @!p1 s23;
	s14 =	smov.u32 s21  }
.LBB1_1:
0x3d: {  	p1 =	sge.u32 s15, s6  }
0x3e: {  	s31 =	sadd.s32 $0xFFFFFFFF, s15;
	s19 =	sxor.u32 @!p1 $0xFFFFFFFF, s15  }
0x3f: {  	s20 =	sshll.u32 @!p1 s13, $0x8;
	s21 =	sshll.u32 @!p1 s12, $0x3;
	s22 =	sshll.u32 @!p1 s13, $0x7  }
0x40: {  	s23 =	sand.u32 @!p1 $0x78, s12;
	s20 =	sand.u32 @!p1 $0x3800, s20;
	s21 =	sand.u32 @!p1 $0x3C00, s21  }
0x41: {  	s19 =	sshll.u32 @!p1 s19, $0xE;
	s20 =	sadd.s32 @!p1 s20, s21;
	s21 =	sand.u32 @!p1 $0x300, s22  }
0x42: {  	s19 =	sand.u32 @!p1 $0x4000, s19;
	s20 =	sor.u32 @!p1 s21, s20;
	s21 =	sand.u32 @!p1 $0x80, s22  }
0x43: {  	s22 =	sshll.u32 @!p1 s14, $0xB;
	s21 =	sor.u32 @!p1 s23, s21;
	s20 =	sshrl.u32 @!p1 s20, $0x3  }
0x44: {  	s22 =	sadd.s32 @!p1 s5, s22;
	s23 =	sand.u32 @!p1 $0x7, s12;
	s21 =	sshrl.u32 @!p1 s21, $0x3  }
0x45: {  	s20 =	sand.u32 @!p1 $0x7E0, s20;
	s21 =	sadd.s32 @!p1 s21, s22;
	s22 =	sshll.u32 @!p1 s23, $0x12  }
0x46: {  	s20 =	sadd.s32 @!p1 s20, s21;
	s21 =	sor.u32 @!p1 $0x80, s22;
	s22 =	simm.s32 @!p1 $0x4000  }
0x47: {  	[tilespmem:s19], [sflag:$0x1] =	stream.strided.gather @!p1 [hbm4b:s20+s21], $0x4000, s22, s21, $0x38;
	[tilespmem:$0x10100] =	vst v63  }
0x48: {  	p1 =	sge.u32 s31, s6  }
.Ltmp2:
0x49: {  	_ = 	snop;
	(pc) =	sbr.rel @p1 .LBB1_5-.Ltmp2, $1  }
0x4a: {  	_ =	sdelay $0x3  }
0x4b: {  	s19 =	simm.s32 $0x1  }
0x4c: {  	_ =	swait.ge [sflag:s4], $0x4000;
	s19 =	simm.s32 @!p0 $0x0  }
0x4d: {  	[sflag:s4] =	ssyncset.done $0x0;
	s20 =	sshll.u32 s19, $0xE  }
0x4e: {  	[sflag:s4] =	ssyncadd.s32 $0xFFFFC000;
	s20 =	sor.u32 $0x40, s20  }
0x4f: {  	s19 =	smul.u32 $0x10200, s19;
	v0 =	vld [tilespmem:s20+$0x30]  }
0x50: {  	v1 =	vld [tilespmem:s20+$0xFFFFFFD0]  }
0x51: {  	s19 =	sshrl.u32 s19, $0x2;
	v5 =	vld [tilespmem:s20+$0xFFFFFFE0]  }
0x52: {  	v6 =	vld [tilespmem:s20+$0xFFFFFFF0];
	s22 =	sor.u32 $0x8000, s19  }
0x53: {  	s31 =	sand.u32 $0x1, s15;
	v4 =	vld [tilespmem:s20+$0x0];
	s21 =	sadd.s32 $0x0, s22  }
0x54: {  	v3 =	vld [tilespmem:s20+$0x10];
	s19 =	smul.u32 $0x10200, s31;
	[tilespmem:s21+$0x3870 ss:$0x81] =	vst.msk $0xffff, v0  }
0x55: {  	v2 =	vld [tilespmem:s20+$0x20];
	[tilespmem:s21+$0x810 ss:$0x81] =	vst.msk $0xffff, v1  }
0x56: {  	s19 =	sshrl.u32 s19, $0x2;
	v1 =	vld [tilespmem:s20+$0xFFFFFFC0];
	[tilespmem:s21+$0x1020 ss:$0x81] =	vst.msk $0xffff, v5;
	s20 =	sadd.s32 $0x80, s20  }
0x57: {  	s23 =	simm.s32 $0x4;
	s24 =	simm.s32 $0x8;
	s19 =	sor.u32 $0x8000, s19;
	[tilespmem:s21+$0x1830 ss:$0x81] =	vst.msk $0xffff, v6;
	v0 =	vld [tilespmem:s20+$0x30]  }
.LBB1_3:
0x58: {  	p1 =	sne.s32 s24, $0x1FC;
	v5 =	vld [tilespmem:s20+$0xFFFFFFD0];
	[tilespmem:s21+$0x2040 ss:$0x81] =	vst.msk $0xffff, v4  }
0x59: {  	v6 =	vld [tilespmem:s20+$0xFFFFFFE0];
	[tilespmem:s21+$0x2850 ss:$0x81] =	vst.msk $0xffff, v3  }
0x5a: {  	s25 =	sshra.s32 s23, $0x2;
	s23 =	smov.u32 s24;
	v7 =	vld [tilespmem:s20+$0xFFFFFFF0];
	[tilespmem:s21+$0x3060 ss:$0x81] =	vst.msk $0xffff, v2  }
.Ltmp3:
0x5b: {  	v4 =	vld [tilespmem:s20+$0x0];
	[tilespmem:s21+$0x0 ss:$0x81] =	vst.msk $0xffff, v1;
	s21 =	sadd.s32 s25, s22;
	(pc) =	sbr.rel @p1 .LBB1_3-.Ltmp3, $4  }
0x5c: {  	v3 =	vld [tilespmem:s20+$0x10];
	[tilespmem:s21+$0x3870 ss:$0x81] =	vst.msk $0xffff, v0  }
0x5d: {  	[tilespmem:s21+$0x810 ss:$0x81] =	vst.msk $0xffff, v5;
	v2 =	vld [tilespmem:s20+$0x20]  }
0x5e: {  	v1 =	vld [tilespmem:s20+$0xFFFFFFC0];
	[tilespmem:s21+$0x1020 ss:$0x81] =	vst.msk $0xffff, v6;
	s20 =	sadd.s32 $0x80, s20  }
0x5f: {  	s24 =	sadd.s32 $0x4, s24;
	v0 =	vld [tilespmem:s20+$0x30];
	[tilespmem:s21+$0x1830 ss:$0x81] =	vst.msk $0xffff, v7  }
.Ltmp4:
0x60: {  	_ = 	snop;
	(pc) =	sbr.rel .LBB1_4-.Ltmp4, $1  }
0x61: {  	_ =	sdelay $0x3  }
.LBB1_6:
0x62: {  	_ =	sfence.sel $0x180000  }
0x63: {  	s2 =	simm.s32 $0x1;
	[bflag:$0x0] =	sbarrier.arrive $0xFFFF  }
0x64: {  	s31 =	simm.s32 $0x2;
	[sflag:s2] =	ssyncpa.u1 $0x1  }
0x65: {  	[sflag:s31] =	ssyncpa.u1 $0x1  }
0x66: {  	p0 =	sne.s32 s0, $0x0;
	_ =	strace $0x9000004A  }
0x67: {  	s0 =	sadd.s32 @!p0 $0x100000, s1;
	[bflag:$0x2] =	sbarrier.arrive $0xFFFF  }
0x68: {  	[sflag:s0] =	ssyncadd.tile.s32 @!p0 $0x1;
	_ =	shalt  }
.Lfunc_end1:
_tile_overlayer_lowered:
.L_overlay_start_2:
0x69: {  	(tag) =	ssettag $0x2  }
0x6a: {  	s0 =	rddreg [dreg:$0x0];
	s2 =	stileid.u32  }
0x6b: {  	s1 =	rddreg [dreg:$0x1];
	p0 =	sne.s32 s2, $0x0  }
0x6c: {  	s3 =	rddreg [dreg:$0x2];
	[bflag:$0x3] =	sbarrier.arrive $0xFFFF;
	s2 =	simm.s32 @!p0 $0x1C01  }
0x6d: {  	[timem:s3], [sflag:s2] =	dma.local @!p0 [hbm:s0], s1  }
0x6e: {  	s0 =	simm.s32 @!p0 $0x1  }
0x6f: {  	_ =	swait.ge @!p0 [sflag:s0], s1  }
0x70: {  	s1 =	ssub.s32 @!p0 $0x0, s1;
	[sflag:s0] =	ssyncset.done @!p0 $0x0  }
0x71: {  	[sflag:s0] =	ssyncadd.s32 @!p0 s1  }
0x72: {  	[bflag:$0x3] =	sbarrier.arrive $0xFFFF  }
0x73: {  	_ =	shalt  }

</sc_bundles>
